<compile_context>
chip_gen: v7x
topology: tpu7x:2x2x1
jax: 0.10.2.dev20260603
libtpu: 0.0.44.dev20260713+nightly
codegen_flags: <defaults>
</compile_context>

<pallas_src>
import functools

import jax
import jax.numpy as jnp
from jax import lax
from jax.experimental import pallas as pl
from jax.experimental.pallas import tpu as pltpu
from jax.experimental.pallas import tpu_sc as plsc

N_NODES = 10000
N_EDGES = 160000
IN_DIM = 128
D = 16

NC = 2
NS = 16
NW = NC * NS
CHUNK = 128
N_CHUNKS = N_EDGES // CHUNK
N_ROW_CHUNKS = N_NODES // CHUNK
ROW_TAIL = N_NODES - N_ROW_CHUNKS * CHUNK


def _proj_body(x_ref, w_ref, b_ref, o_ref):
    h = jnp.dot(x_ref[...], w_ref[...], preferred_element_type=jnp.float32)
    o_ref[...] = jnp.maximum(h + b_ref[...], 0.0)


def _project(x, W_in, b_in):
    return pl.pallas_call(
        _proj_body,
        grid=(10,),
        in_specs=[
            pl.BlockSpec((N_NODES // 10, IN_DIM), lambda i: (i, 0)),
            pl.BlockSpec((IN_DIM, D), lambda i: (0, 0)),
            pl.BlockSpec((1, D), lambda i: (0, 0)),
        ],
        out_specs=pl.BlockSpec((N_NODES // 10, D), lambda i: (i, 0)),
        out_shape=jax.ShapeDtypeStruct((N_NODES, D), jnp.float32),
    )(x, W_in, b_in.reshape(1, D))


def _softplus_body(r_ref, a_ref, o_ref):
    r = r_ref[...]
    sp = jnp.maximum(r, 0.0) + jnp.log1p(jnp.exp(-jnp.abs(r)))
    o_ref[...] = a_ref[0, 0] * sp


def _edge_weights(raw_w, alpha):
    w2 = pl.pallas_call(
        _softplus_body,
        in_specs=[
            pl.BlockSpec((2 * N_EDGES // 128, 128), lambda: (0, 0)),
            pl.BlockSpec((1, 1), lambda: (0, 0)),
        ],
        out_specs=pl.BlockSpec((2 * N_EDGES // 128, 128), lambda: (0, 0)),
        out_shape=jax.ShapeDtypeStruct((2 * N_EDGES // 128, 128), jnp.float32),
    )(raw_w.reshape(2 * N_EDGES // 128, 128), jnp.asarray(alpha, jnp.float32).reshape(1, 1))
    return w2.reshape(2 * N_EDGES)


_GDN = lax.GatherDimensionNumbers(
    offset_dims=(), collapsed_slice_dims=(0,), start_index_map=(0,)
)


def _vreg_gather(x, idx):
    return lax.gather(x, idx[:, None], _GDN, (1,),
                      mode=lax.GatherScatterMode.PROMISE_IN_BOUNDS)


_MESH = plsc.VectorSubcoreMesh(
    core_axis_name="c", subcore_axis_name="s", num_cores=NC, num_subcores=NS
)


@functools.partial(
    pl.kernel,
    out_type=jax.ShapeDtypeStruct((NC, N_NODES, 2 * D), jnp.float32),
    mesh=_MESH,
    compiler_params=pltpu.CompilerParams(
        needs_layout_passes=False, use_tc_tiling_on_sc=False
    ),
    scratch_types=[
        pltpu.VMEM((CHUNK,), jnp.int32),
        pltpu.VMEM((CHUNK,), jnp.int32),
        pltpu.VMEM((CHUNK, D), jnp.float32),
        pltpu.VMEM((CHUNK, D), jnp.float32),
        pltpu.VMEM((CHUNK * D * D,), jnp.float32),
        pltpu.VMEM((CHUNK,), jnp.float32),
        pltpu.VMEM((CHUNK, 2 * D), jnp.float32),
        pltpu.SemaphoreType.DMA,
        pltpu.VMEM_SHARED((N_NODES, 2 * D), jnp.float32),
    ],
)
def _edge_kernel(h_hbm, ei_hbm, t_hbm, w_hbm,
                 out_hbm, sidx, didx, hsrc, hdst, tbuf, wbuf, msg, sem, acc):
    cid = lax.axis_index("c")
    sid = lax.axis_index("s")
    wid = sid * NC + cid

    zero16 = jnp.zeros((D,), jnp.float32)
    lanes = lax.iota(jnp.int32, D)
    one_hot = jnp.where(lanes == 0, 1.0, 0.0).astype(jnp.float32)

    def _zrow(c, carry):
        msg[c, pl.ds(0, D)] = zero16
        msg[c, pl.ds(D, D)] = zero16
        return carry

    lax.fori_loop(0, CHUNK, _zrow, 0)
    n_rc = jnp.where(sid < N_ROW_CHUNKS - (N_ROW_CHUNKS // NS) * NS,
                     N_ROW_CHUNKS // NS + 1, N_ROW_CHUNKS // NS)

    def _zchunk(t, carry):
        start = (sid + NS * t) * CHUNK
        pltpu.sync_copy(msg.at[pl.ds(0, CHUNK)], acc.at[pl.ds(start, CHUNK)])
        return carry

    lax.fori_loop(0, n_rc, _zchunk, 0)

    @pl.when(sid == NS - 1)
    def _ztail():
        pltpu.sync_copy(msg.at[pl.ds(0, ROW_TAIL)],
                        acc.at[pl.ds(N_ROW_CHUNKS * CHUNK, ROW_TAIL)])

    plsc.subcore_barrier()

    def _setrow(c, carry):
        msg[c, pl.ds(D, D)] = one_hot
        return carry

    lax.fori_loop(0, CHUNK, _setrow, 0)

    lanes16 = lanes * D
    _ROT = [(lanes + j) % D for j in range(D)]
    _DIAG = [lanes16 + _ROT[j] for j in range(D)]

    def _direction(xin, xsub, scat_idx, base2):
        pltpu.sync_copy(t_hbm.at[pl.ds(base2 * (D * D), CHUNK * D * D)], tbuf)
        pltpu.sync_copy(w_hbm.at[pl.ds(base2, CHUNK)], wbuf)

        def _edge(c, carry):
            cvec = jnp.full((D,), c, jnp.int32)
            cbase = jnp.full((D,), c * (D * D), jnp.int32)
            xs = xin[c, :]
            acc4 = [zero16, zero16, zero16, zero16]
            for j in range(D):
                col = plsc.load_gather(tbuf, [_DIAG[j] + cbase])
                xr = _vreg_gather(xs, _ROT[j])
                acc4[j % 4] = acc4[j % 4] + col * xr
            m = (acc4[0] + acc4[1]) + (acc4[2] + acc4[3]) - xsub[c, :]
            wv = plsc.load_gather(wbuf, [cvec])
            msg[c, pl.ds(0, D)] = wv * m
            return carry

        lax.fori_loop(0, CHUNK, _edge, 0)
        pltpu.sync_copy(msg, acc.at[scat_idx], add=True)

    n_chunks = jnp.where(wid < N_CHUNKS - (N_CHUNKS // NW) * NW, N_CHUNKS // NW + 1,
                         N_CHUNKS // NW)

    def _chunk(j, carry):
        base = (wid + j * NW) * CHUNK
        pltpu.sync_copy(ei_hbm.at[0, pl.ds(base, CHUNK)], sidx)
        pltpu.sync_copy(ei_hbm.at[1, pl.ds(base, CHUNK)], didx)
        pltpu.async_copy(h_hbm.at[sidx], hsrc, sem).wait()
        pltpu.async_copy(h_hbm.at[didx], hdst, sem).wait()
        _direction(hsrc, hdst, didx, base)
        _direction(hdst, hsrc, sidx, N_EDGES + base)
        return carry

    lax.fori_loop(0, n_chunks, _chunk, 0)
    plsc.subcore_barrier()

    def _dchunk(t, carry):
        start = (sid + NS * t) * CHUNK
        pltpu.sync_copy(acc.at[pl.ds(start, CHUNK)],
                        out_hbm.at[cid, pl.ds(start, CHUNK)])
        return carry

    lax.fori_loop(0, n_rc, _dchunk, 0)

    @pl.when(sid == NS - 1)
    def _dtail():
        pltpu.sync_copy(acc.at[pl.ds(N_ROW_CHUNKS * CHUNK, ROW_TAIL)],
                        out_hbm.at[cid, pl.ds(N_ROW_CHUNKS * CHUNK, ROW_TAIL)])


def _final_body(h_ref, a0_ref, a1_ref, g_ref, b_ref, o_ref):
    accs = a0_ref[...] + a1_ref[...]
    msgv = accs[:, 0:D]
    deg = accs[:, D:D + 1]
    out = h_ref[...] + msgv / jnp.maximum(deg, 1.0)
    mu = jnp.mean(out, axis=-1, keepdims=True)
    var = jnp.mean((out - mu) ** 2, axis=-1, keepdims=True)
    out = (out - mu) * lax.rsqrt(var + 1e-5) * g_ref[...] + b_ref[...]
    o_ref[...] = jnp.maximum(out, 0.0)


def _finalize(h, acc, ln_g, ln_b):
    blk = N_NODES // 10
    return pl.pallas_call(
        _final_body,
        grid=(10,),
        in_specs=[
            pl.BlockSpec((blk, D), lambda i: (i, 0)),
            pl.BlockSpec((blk, 2 * D), lambda i: (i, 0)),
            pl.BlockSpec((blk, 2 * D), lambda i: (i, 0)),
            pl.BlockSpec((1, D), lambda i: (0, 0)),
            pl.BlockSpec((1, D), lambda i: (0, 0)),
        ],
        out_specs=pl.BlockSpec((blk, D), lambda i: (i, 0)),
        out_shape=jax.ShapeDtypeStruct((N_NODES, D), jnp.float32),
    )(h, acc[0], acc[1], ln_g.reshape(1, D), ln_b.reshape(1, D))


def kernel(x, edge_index, W_in, b_in, T, raw_w, alpha, ln_g, ln_b):
    h = _project(x, W_in, b_in)
    w_all = _edge_weights(raw_w, alpha)
    acc = _edge_kernel(h, edge_index, T.reshape(2 * N_EDGES * D * D), w_all)
    return _finalize(h, acc, ln_g, ln_b)

# --- scband reference (transcript-rebuilt; emitter-appended) ---
"""Pipeline reference for scband-sheaf-diffusion-encoder-43662637531918 (READ-ONLY COPY).

The authoritative reference and input builder live on the scoring server;
editing this copy changes nothing except your own understanding.
"""

import jax, jax.numpy as jnp
import numpy as np

N = 10000
E = 160000
IN_DIM = 128
D = 16


def layernorm(x, g, b, eps=1e-5):
    mu = jnp.mean(x, axis=-1, keepdims=True)
    var = jnp.mean((x - mu) ** 2, axis=-1, keepdims=True)
    return (x - mu) / jnp.sqrt(var + eps) * g + b


def setup_inputs(seed: int = 0) -> dict:
    key = jax.random.key(seed)
    ks = jax.random.split(key, 6)
    x = jax.random.normal(ks[0], (N, IN_DIM), dtype=jnp.float32)
    edge_index = jax.random.randint(ks[1], (2, E), 0, N, dtype=jnp.int32)
    # parameters (eval mode: dropout disabled)
    W_in = jax.random.normal(ks[2], (IN_DIM, D), dtype=jnp.float32) * (1.0 / np.sqrt(IN_DIM))
    b_in = jnp.zeros((D,), dtype=jnp.float32)
    T = jnp.broadcast_to(jnp.eye(D, dtype=jnp.float32), (2 * E, D, D)) + 0.01 * jax.random.normal(ks[3], (2 * E, D, D), dtype=jnp.float32)
    raw_w = jnp.full((2 * E,), float(np.log(np.exp(0.1) - 1.0)), dtype=jnp.float32)
    alpha = jnp.float32(0.1)
    ln_g = jnp.ones((D,), dtype=jnp.float32)
    ln_b = jnp.zeros((D,), dtype=jnp.float32)
    return {"x": x, "edge_index": edge_index, "W_in": W_in, "b_in": b_in, "T": T, "raw_w": raw_w, "alpha": alpha, "ln_g": ln_g, "ln_b": ln_b}


def reference(x, edge_index, W_in, b_in, T, raw_w, alpha, ln_g, ln_b):
    src = edge_index[0]
    dst = edge_index[1]
    n = x.shape[0]
    ones = jnp.ones((edge_index.shape[1],), dtype=x.dtype)
    deg = jnp.zeros((n,), dtype=x.dtype).at[src].add(ones).at[dst].add(ones)
    h = jax.nn.relu(x @ W_in + b_in)
    Ee = edge_index.shape[1]
    T_fwd = T[:Ee]
    T_rev = T[Ee:]
    w_fwd = jax.nn.softplus(raw_w[:Ee])
    w_rev = jax.nn.softplus(raw_w[Ee:])
    x_src = h[src]
    x_dst = h[dst]
    m_fwd = jnp.einsum('edk,ek->ed', T_fwd, x_src) - x_dst
    m_rev = jnp.einsum('edk,ek->ed', T_rev, x_dst) - x_src
    out = h
    out = out.at[dst].add((alpha * w_fwd / jnp.clip(deg[dst], 1.0, None))[:, None] * m_fwd)
    out = out.at[src].add((alpha * w_rev / jnp.clip(deg[src], 1.0, None))[:, None] * m_rev)
    h = layernorm(out, ln_g, ln_b)
    h = jax.nn.relu(h)
    return h

if __name__ == "__main__":
    import jax
    _d = setup_inputs()
    print(jax.jit(kernel)(*tuple(_d.values())))

</pallas_src>

<mosaic_0001>
#map = affine_map<(d0, d1) -> (0, 0)>
#map1 = affine_map<(d0, d1) -> (0)>
#map2 = affine_map<(d0, d1) -> (0, 0, 0)>
module attributes {stable_mosaic.version = 14 : i64} {
  func.func @_edge_kernel(%arg0: i32, %arg1: i32, %arg2: memref<10000x16xf32, #tpu.memory_space<hbm>>, %arg3: memref<2x160000xi32, #tpu.memory_space<hbm>>, %arg4: memref<81920000xf32, #tpu.memory_space<hbm>>, %arg5: memref<320000xf32, #tpu.memory_space<hbm>>, %arg6: memref<2x10000x32xf32, #tpu.memory_space<hbm>>, %arg7: memref<128xi32, #tpu.memory_space<vmem>>, %arg8: memref<128xi32, #tpu.memory_space<vmem>>, %arg9: memref<128x16xf32, #tpu.memory_space<vmem>>, %arg10: memref<128x16xf32, #tpu.memory_space<vmem>>, %arg11: memref<32768xf32, #tpu.memory_space<vmem>>, %arg12: memref<128xf32, #tpu.memory_space<vmem>>, %arg13: memref<128x32xf32, #tpu.memory_space<vmem>>, %arg14: memref<!tpu.dma_semaphore, #tpu.memory_space<semaphore_mem>>, %arg15: memref<10000x32xf32, #tpu.memory_space<vmem_shared>>) attributes {dimension_semantics = [#tpu.dimension_semantics<core_parallel>, #tpu.dimension_semantics<subcore_parallel>], iteration_bounds = array<i64: 2, 16>, scalar_prefetch = 0 : i64, scratch_operands = 9 : i64, tpu.core_type = #tpu.core_type<sc_vector_subcore>, window_params = [{transform_indices = #map}, {transform_indices = #map}, {transform_indices = #map1}, {transform_indices = #map1}, {transform_indices = #map2}]} {
    %mul3A = arith.constant 2 : i32
    %mul3A_0 = arith.muli %arg1, %mul3A : i32
    %add3A = arith.addi %mul3A_0, %arg0 : i32
    %broadcast_in_dim3A = arith.constant 0.000000e+00 : f32
    %broadcast_in_dim3A_1 = vector.broadcast %broadcast_in_dim3A : f32 to vector<16xf32>
    %iota3A = tpu.iota {dimensions = array<i32: 0>} : vector<16xi32>
    %eq3A = arith.constant 0 : i32
    %eq3A_2 = vector.broadcast %eq3A : i32 to vector<16xi32>
    %eq3A_3 = arith.cmpi eq, %iota3A, %eq3A_2 : vector<16xi32>
    %jit3A = arith.constant 1.000000e+00 : f32
    %jit3A_4 = arith.constant 0.000000e+00 : f32
    %broadcast_in_dim3A_5 = vector.broadcast %jit3A : f32 to vector<16xf32>
    %broadcast_in_dim3A_6 = vector.broadcast %jit3A_4 : f32 to vector<16xf32>
    %select_n3A = arith.select %eq3A_3, %broadcast_in_dim3A_5, %broadcast_in_dim3A_6 : vector<16xi1>, vector<16xf32>
    %scan3A = arith.constant 0 : i32
    %scan3A_7 = arith.constant 0 : i32
    %scan3A_8 = arith.constant 128 : i32
    %scan3A_9 = arith.addi %scan3A_7, %scan3A_8 : i32
    %scan3A_10 = arith.constant 1 : i32
    scf.for %scan3A_481 = %scan3A_7 to %scan3A_9 step %scan3A_10  : i32 {
      %swap3A = arith.index_cast %scan3A_481 : i32 to index
      %swap3A_482 = arith.constant 0 : index
      %swap3A_483 = tpu.vector_load %arg13[%swap3A, %swap3A_482] {strides = array<i32>} : memref<128x32xf32, #tpu.memory_space<vmem>>, vector<16xf32>,
      tpu.vector_store %arg13[%swap3A, %swap3A_482], %broadcast_in_dim3A_1 {strides = array<i32>} : memref<128x32xf32, #tpu.memory_space<vmem>>, vector<16xf32>,
      %swap3A_484 = arith.index_cast %scan3A_481 : i32 to index
      %swap3A_485 = arith.constant 16 : index
      %swap3A_486 = tpu.vector_load %arg13[%swap3A_484, %swap3A_485] {strides = array<i32>} : memref<128x32xf32, #tpu.memory_space<vmem>>, vector<16xf32>,
      tpu.vector_store %arg13[%swap3A_484, %swap3A_485], %broadcast_in_dim3A_1 {strides = array<i32>} : memref<128x32xf32, #tpu.memory_space<vmem>>, vector<16xf32>,
    }
    %scan3A_11 = arith.constant 128 : i32
    %lt3A = arith.constant 14 : i32
    %lt3A_12 = arith.cmpi slt, %arg1, %lt3A : i32
    %jit3A_13 = arith.constant 5 : i32
    %jit3A_14 = arith.constant 4 : i32
    %select_n3A_15 = arith.select %lt3A_12, %jit3A_13, %jit3A_14 : i32
    %while3A = arith.constant 0 : i32
    %while3A_16 = arith.constant 0 : i32
    %while3A_17 = arith.subi %select_n3A_15, %while3A_16 : i32
    %while3A_18 = arith.addi %while3A_16, %while3A_17 : i32
    %while3A_19 = arith.constant 1 : i32
    %while3A_20 = arith.divsi %while3A_17, %while3A_19 : i32
    %while3A_21 = arith.muli %while3A_20, %while3A_19 : i32
    %while3A_22 = arith.addi %while3A_16, %while3A_21 : i32
    %while3A_23 = arith.constant 1 : i32
    scf.for %while3A_481 = %while3A_16 to %while3A_22 step %while3A_23  : i32 {
      %mul3A_482 = arith.constant 16 : i32
      %mul3A_483 = arith.muli %mul3A_482, %while3A_481 : i32
      %add3A_484 = arith.addi %arg1, %mul3A_483 : i32
      %mul3A_485 = arith.constant 128 : i32
      %mul3A_486 = arith.muli %add3A_484, %mul3A_485 : i32
      "tpu.region"() ({
        %run_scoped3A = tpu.sem_alloc : memref<!tpu.dma_semaphore, #tpu.memory_space<semaphore_mem>>
        %dma_start3A = arith.constant 0 : i32
        %dma_start3A_487 = arith.constant 0 : i32
        %dma_start3A_488 = tpu.memref_slice %arg13[%dma_start3A, %dma_start3A_487] : memref<128x32xf32, #tpu.memory_space<vmem>> -> memref<128x32xf32, #tpu.memory_space<vmem>>
        %dma_start3A_489 = arith.constant 0 : i32
        %dma_start3A_490 = tpu.memref_slice %arg15[%mul3A_486, %dma_start3A_489] : memref<10000x32xf32, #tpu.memory_space<vmem_shared>> -> memref<128x32xf32, #tpu.memory_space<vmem_shared>>
        %dma_start3A_491 = arith.constant 0 : i32
        %dma_start3A_492 = tpu.memref_slice %arg15[%mul3A_486, %dma_start3A_491] : memref<10000x32xf32, #tpu.memory_space<vmem_shared>> -> memref<128x32xf32, #tpu.memory_space<vmem_shared>>
        %dma_start3A_493 = arith.constant 0 : i32
        %dma_start3A_494 = arith.constant 0 : i32
        %dma_start3A_495 = tpu.memref_slice %arg13[%dma_start3A_493, %dma_start3A_494] : memref<128x32xf32, #tpu.memory_space<vmem>> -> memref<128x32xf32, #tpu.memory_space<vmem>>
        tpu.enqueue_dma source(%dma_start3A_495 : memref<128x32xf32, #tpu.memory_space<vmem>>) target(%dma_start3A_492 : memref<128x32xf32, #tpu.memory_space<vmem_shared>>) target_semaphore(%run_scoped3A : memref<!tpu.dma_semaphore, #tpu.memory_space<semaphore_mem>>)
        %dma_wait3A = arith.constant 0 : i32
        %dma_wait3A_496 = arith.constant 0 : i32
        %dma_wait3A_497 = tpu.memref_slice %arg13[%dma_wait3A, %dma_wait3A_496] : memref<128x32xf32, #tpu.memory_space<vmem>> -> memref<128x32xf32, #tpu.memory_space<vmem>>
        %dma_wait3A_498 = arith.constant 0 : i32
        %dma_wait3A_499 = tpu.memref_slice %arg15[%mul3A_486, %dma_wait3A_498] : memref<10000x32xf32, #tpu.memory_space<vmem_shared>> -> memref<128x32xf32, #tpu.memory_space<vmem_shared>>
        %dma_wait3A_500 = arith.constant 0 : i32
        %dma_wait3A_501 = tpu.memref_slice %arg15[%mul3A_486, %dma_wait3A_500] : memref<10000x32xf32, #tpu.memory_space<vmem_shared>> -> memref<128x32xf32, #tpu.memory_space<vmem_shared>>
        %dma_wait3A_502 = arith.constant 0 : i32
        %dma_wait3A_503 = arith.constant 0 : i32
        %dma_wait3A_504 = tpu.memref_slice %arg13[%dma_wait3A_502, %dma_wait3A_503] : memref<128x32xf32, #tpu.memory_space<vmem>> -> memref<128x32xf32, #tpu.memory_space<vmem>>
        tpu.wait_dma2 semaphore(%run_scoped3A : memref<!tpu.dma_semaphore, #tpu.memory_space<semaphore_mem>>) src(%dma_wait3A_504 : memref<128x32xf32, #tpu.memory_space<vmem>>) dst(%dma_wait3A_501 : memref<128x32xf32, #tpu.memory_space<vmem_shared>>)
        tpu.yield
      }) : () -> ()
    }
    %while3A_24 = arith.constant 1 : i32
    scf.for %while3A_481 = %while3A_22 to %while3A_18 step %while3A_24  : i32 {
      %mul3A_482 = arith.constant 16 : i32
      %mul3A_483 = arith.muli %mul3A_482, %while3A_481 : i32
      %add3A_484 = arith.addi %arg1, %mul3A_483 : i32
      %mul3A_485 = arith.constant 128 : i32
      %mul3A_486 = arith.muli %add3A_484, %mul3A_485 : i32
      "tpu.region"() ({
        %run_scoped3A = tpu.sem_alloc : memref<!tpu.dma_semaphore, #tpu.memory_space<semaphore_mem>>
        %dma_start3A = arith.constant 0 : i32
        %dma_start3A_487 = arith.constant 0 : i32
        %dma_start3A_488 = tpu.memref_slice %arg13[%dma_start3A, %dma_start3A_487] : memref<128x32xf32, #tpu.memory_space<vmem>> -> memref<128x32xf32, #tpu.memory_space<vmem>>
        %dma_start3A_489 = arith.constant 0 : i32
        %dma_start3A_490 = tpu.memref_slice %arg15[%mul3A_486, %dma_start3A_489] : memref<10000x32xf32, #tpu.memory_space<vmem_shared>> -> memref<128x32xf32, #tpu.memory_space<vmem_shared>>
        %dma_start3A_491 = arith.constant 0 : i32
        %dma_start3A_492 = tpu.memref_slice %arg15[%mul3A_486, %dma_start3A_491] : memref<10000x32xf32, #tpu.memory_space<vmem_shared>> -> memref<128x32xf32, #tpu.memory_space<vmem_shared>>
        %dma_start3A_493 = arith.constant 0 : i32
        %dma_start3A_494 = arith.constant 0 : i32
        %dma_start3A_495 = tpu.memref_slice %arg13[%dma_start3A_493, %dma_start3A_494] : memref<128x32xf32, #tpu.memory_space<vmem>> -> memref<128x32xf32, #tpu.memory_space<vmem>>
        tpu.enqueue_dma source(%dma_start3A_495 : memref<128x32xf32, #tpu.memory_space<vmem>>) target(%dma_start3A_492 : memref<128x32xf32, #tpu.memory_space<vmem_shared>>) target_semaphore(%run_scoped3A : memref<!tpu.dma_semaphore, #tpu.memory_space<semaphore_mem>>)
        %dma_wait3A = arith.constant 0 : i32
        %dma_wait3A_496 = arith.constant 0 : i32
        %dma_wait3A_497 = tpu.memref_slice %arg13[%dma_wait3A, %dma_wait3A_496] : memref<128x32xf32, #tpu.memory_space<vmem>> -> memref<128x32xf32, #tpu.memory_space<vmem>>
        %dma_wait3A_498 = arith.constant 0 : i32
        %dma_wait3A_499 = tpu.memref_slice %arg15[%mul3A_486, %dma_wait3A_498] : memref<10000x32xf32, #tpu.memory_space<vmem_shared>> -> memref<128x32xf32, #tpu.memory_space<vmem_shared>>
        %dma_wait3A_500 = arith.constant 0 : i32
        %dma_wait3A_501 = tpu.memref_slice %arg15[%mul3A_486, %dma_wait3A_500] : memref<10000x32xf32, #tpu.memory_space<vmem_shared>> -> memref<128x32xf32, #tpu.memory_space<vmem_shared>>
        %dma_wait3A_502 = arith.constant 0 : i32
        %dma_wait3A_503 = arith.constant 0 : i32
        %dma_wait3A_504 = tpu.memref_slice %arg13[%dma_wait3A_502, %dma_wait3A_503] : memref<128x32xf32, #tpu.memory_space<vmem>> -> memref<128x32xf32, #tpu.memory_space<vmem>>
        tpu.wait_dma2 semaphore(%run_scoped3A : memref<!tpu.dma_semaphore, #tpu.memory_space<semaphore_mem>>) src(%dma_wait3A_504 : memref<128x32xf32, #tpu.memory_space<vmem>>) dst(%dma_wait3A_501 : memref<128x32xf32, #tpu.memory_space<vmem_shared>>)
        tpu.yield
      }) : () -> ()
    }
    %eq3A_25 = arith.constant 15 : i32
    %eq3A_26 = arith.cmpi eq, %arg1, %eq3A_25 : i32
    %convert_element_type3A = arith.extui %eq3A_26 : i1 to i32
    %cond3A = arith.constant 0 : i32
    %cond3A_27 = arith.cmpi ne, %convert_element_type3A, %cond3A : i32
    scf.if %cond3A_27 {
      "tpu.region"() ({
        %run_scoped3A = tpu.sem_alloc : memref<!tpu.dma_semaphore, #tpu.memory_space<semaphore_mem>>
        %dma_start3A = arith.constant 0 : i32
        %dma_start3A_481 = arith.constant 0 : i32
        %dma_start3A_482 = tpu.memref_slice %arg13[%dma_start3A, %dma_start3A_481] : memref<128x32xf32, #tpu.memory_space<vmem>> -> memref<16x32xf32, #tpu.memory_space<vmem>>
        %dma_start3A_483 = arith.constant 9984 : i32
        %dma_start3A_484 = arith.constant 0 : i32
        %dma_start3A_485 = tpu.memref_slice %arg15[%dma_start3A_483, %dma_start3A_484] : memref<10000x32xf32, #tpu.memory_space<vmem_shared>> -> memref<16x32xf32, #tpu.memory_space<vmem_shared>>
        %dma_start3A_486 = arith.constant 9984 : i32
        %dma_start3A_487 = arith.constant 0 : i32
        %dma_start3A_488 = tpu.memref_slice %arg15[%dma_start3A_486, %dma_start3A_487] : memref<10000x32xf32, #tpu.memory_space<vmem_shared>> -> memref<16x32xf32, #tpu.memory_space<vmem_shared>>
        %dma_start3A_489 = arith.constant 0 : i32
        %dma_start3A_490 = arith.constant 0 : i32
        %dma_start3A_491 = tpu.memref_slice %arg13[%dma_start3A_489, %dma_start3A_490] : memref<128x32xf32, #tpu.memory_space<vmem>> -> memref<16x32xf32, #tpu.memory_space<vmem>>
        tpu.enqueue_dma source(%dma_start3A_491 : memref<16x32xf32, #tpu.memory_space<vmem>>) target(%dma_start3A_488 : memref<16x32xf32, #tpu.memory_space<vmem_shared>>) target_semaphore(%run_scoped3A : memref<!tpu.dma_semaphore, #tpu.memory_space<semaphore_mem>>)
        %dma_wait3A = arith.constant 0 : i32
        %dma_wait3A_492 = arith.constant 0 : i32
        %dma_wait3A_493 = tpu.memref_slice %arg13[%dma_wait3A, %dma_wait3A_492] : memref<128x32xf32, #tpu.memory_space<vmem>> -> memref<16x32xf32, #tpu.memory_space<vmem>>
        %dma_wait3A_494 = arith.constant 9984 : i32
        %dma_wait3A_495 = arith.constant 0 : i32
        %dma_wait3A_496 = tpu.memref_slice %arg15[%dma_wait3A_494, %dma_wait3A_495] : memref<10000x32xf32, #tpu.memory_space<vmem_shared>> -> memref<16x32xf32, #tpu.memory_space<vmem_shared>>
        %dma_wait3A_497 = arith.constant 9984 : i32
        %dma_wait3A_498 = arith.constant 0 : i32
        %dma_wait3A_499 = tpu.memref_slice %arg15[%dma_wait3A_497, %dma_wait3A_498] : memref<10000x32xf32, #tpu.memory_space<vmem_shared>> -> memref<16x32xf32, #tpu.memory_space<vmem_shared>>
        %dma_wait3A_500 = arith.constant 0 : i32
        %dma_wait3A_501 = arith.constant 0 : i32
        %dma_wait3A_502 = tpu.memref_slice %arg13[%dma_wait3A_500, %dma_wait3A_501] : memref<128x32xf32, #tpu.memory_space<vmem>> -> memref<16x32xf32, #tpu.memory_space<vmem>>
        tpu.wait_dma2 semaphore(%run_scoped3A : memref<!tpu.dma_semaphore, #tpu.memory_space<semaphore_mem>>) src(%dma_wait3A_502 : memref<16x32xf32, #tpu.memory_space<vmem>>) dst(%dma_wait3A_499 : memref<16x32xf32, #tpu.memory_space<vmem_shared>>)
        tpu.yield
      }) : () -> ()
    } else {
    }
    %barrier3A = arith.constant 0 : index
    tpu.barrier barrier_id(%barrier3A)
    %scan3A_28 = arith.constant 0 : i32
    %scan3A_29 = arith.constant 0 : i32
    %scan3A_30 = arith.constant 128 : i32
    %scan3A_31 = arith.addi %scan3A_29, %scan3A_30 : i32
    %scan3A_32 = arith.constant 1 : i32
    scf.for %scan3A_481 = %scan3A_29 to %scan3A_31 step %scan3A_32  : i32 {
      %swap3A = arith.index_cast %scan3A_481 : i32 to index
      %swap3A_482 = arith.constant 16 : index
      %swap3A_483 = tpu.vector_load %arg13[%swap3A, %swap3A_482] {strides = array<i32>} : memref<128x32xf32, #tpu.memory_space<vmem>>, vector<16xf32>,
      tpu.vector_store %arg13[%swap3A, %swap3A_482], %select_n3A {strides = array<i32>} : memref<128x32xf32, #tpu.memory_space<vmem>>, vector<16xf32>,
    }
    %scan3A_33 = arith.constant 128 : i32
    %mul3A_34 = arith.constant 16 : i32
    %mul3A_35 = vector.broadcast %mul3A_34 : i32 to vector<16xi32>
    %mul3A_36 = arith.muli %iota3A, %mul3A_35 : vector<16xi32>
    %add3A_37 = arith.constant 0 : i32
    %add3A_38 = vector.broadcast %add3A_37 : i32 to vector<16xi32>
    %add3A_39 = arith.addi %iota3A, %add3A_38 : vector<16xi32>
    %jit3A_40 = arith.constant 16 : i32
    %eq3A_41 = arith.constant 0 : i32
    %eq3A_42 = arith.cmpi eq, %jit3A_40, %eq3A_41 : i32
    %jit3A_43 = arith.constant 1 : i32
    %select_n3A_44 = arith.select %eq3A_42, %jit3A_43, %jit3A_40 : i32
    %rem3A = vector.broadcast %select_n3A_44 : i32 to vector<16xi32>
    %rem3A_45 = arith.remsi %add3A_39, %rem3A : vector<16xi32>
    %ne3A = arith.constant 0 : i32
    %ne3A_46 = vector.broadcast %ne3A : i32 to vector<16xi32>
    %ne3A_47 = arith.cmpi ne, %rem3A_45, %ne3A_46 : vector<16xi32>
    %lt3A_48 = arith.constant 0 : i32
    %lt3A_49 = vector.broadcast %lt3A_48 : i32 to vector<16xi32>
    %lt3A_50 = arith.cmpi slt, %rem3A_45, %lt3A_49 : vector<16xi32>
    %lt3A_51 = arith.constant 0 : i32
    %lt3A_52 = arith.cmpi slt, %select_n3A_44, %lt3A_51 : i32
    %ne3A_53 = vector.broadcast %lt3A_52 : i1 to vector<16xi1>
    %ne3A_54 = vector.broadcast %ne3A_53 : vector<16xi1> to vector<16xi1>
    %ne3A_55 = arith.xori %lt3A_50, %ne3A_54 : vector<16xi1>
    %and3A = arith.andi %ne3A_55, %ne3A_47 : vector<16xi1>
    %add3A_56 = vector.broadcast %select_n3A_44 : i32 to vector<16xi32>
    %add3A_57 = arith.addi %rem3A_45, %add3A_56 : vector<16xi32>
    %select_n3A_58 = arith.select %and3A, %add3A_57, %rem3A_45 : vector<16xi1>, vector<16xi32>
    %add3A_59 = arith.constant 1 : i32
    %add3A_60 = vector.broadcast %add3A_59 : i32 to vector<16xi32>
    %add3A_61 = arith.addi %iota3A, %add3A_60 : vector<16xi32>
    %jit3A_62 = arith.constant 16 : i32
    %eq3A_63 = arith.constant 0 : i32
    %eq3A_64 = arith.cmpi eq, %jit3A_62, %eq3A_63 : i32
    %jit3A_65 = arith.constant 1 : i32
    %select_n3A_66 = arith.select %eq3A_64, %jit3A_65, %jit3A_62 : i32
    %rem3A_67 = vector.broadcast %select_n3A_66 : i32 to vector<16xi32>
    %rem3A_68 = arith.remsi %add3A_61, %rem3A_67 : vector<16xi32>
    %ne3A_69 = arith.constant 0 : i32
    %ne3A_70 = vector.broadcast %ne3A_69 : i32 to vector<16xi32>
    %ne3A_71 = arith.cmpi ne, %rem3A_68, %ne3A_70 : vector<16xi32>
    %lt3A_72 = arith.constant 0 : i32
    %lt3A_73 = vector.broadcast %lt3A_72 : i32 to vector<16xi32>
    %lt3A_74 = arith.cmpi slt, %rem3A_68, %lt3A_73 : vector<16xi32>
    %lt3A_75 = arith.constant 0 : i32
    %lt3A_76 = arith.cmpi slt, %select_n3A_66, %lt3A_75 : i32
    %ne3A_77 = vector.broadcast %lt3A_76 : i1 to vector<16xi1>
    %ne3A_78 = vector.broadcast %ne3A_77 : vector<16xi1> to vector<16xi1>
    %ne3A_79 = arith.xori %lt3A_74, %ne3A_78 : vector<16xi1>
    %and3A_80 = arith.andi %ne3A_79, %ne3A_71 : vector<16xi1>
    %add3A_81 = vector.broadcast %select_n3A_66 : i32 to vector<16xi32>
    %add3A_82 = arith.addi %rem3A_68, %add3A_81 : vector<16xi32>
    %select_n3A_83 = arith.select %and3A_80, %add3A_82, %rem3A_68 : vector<16xi1>, vector<16xi32>
    %add3A_84 = arith.constant 2 : i32
    %add3A_85 = vector.broadcast %add3A_84 : i32 to vector<16xi32>
    %add3A_86 = arith.addi %iota3A, %add3A_85 : vector<16xi32>
    %jit3A_87 = arith.constant 16 : i32
    %eq3A_88 = arith.constant 0 : i32
    %eq3A_89 = arith.cmpi eq, %jit3A_87, %eq3A_88 : i32
    %jit3A_90 = arith.constant 1 : i32
    %select_n3A_91 = arith.select %eq3A_89, %jit3A_90, %jit3A_87 : i32
    %rem3A_92 = vector.broadcast %select_n3A_91 : i32 to vector<16xi32>
    %rem3A_93 = arith.remsi %add3A_86, %rem3A_92 : vector<16xi32>
    %ne3A_94 = arith.constant 0 : i32
    %ne3A_95 = vector.broadcast %ne3A_94 : i32 to vector<16xi32>
    %ne3A_96 = arith.cmpi ne, %rem3A_93, %ne3A_95 : vector<16xi32>
    %lt3A_97 = arith.constant 0 : i32
    %lt3A_98 = vector.broadcast %lt3A_97 : i32 to vector<16xi32>
    %lt3A_99 = arith.cmpi slt, %rem3A_93, %lt3A_98 : vector<16xi32>
    %lt3A_100 = arith.constant 0 : i32
    %lt3A_101 = arith.cmpi slt, %select_n3A_91, %lt3A_100 : i32
    %ne3A_102 = vector.broadcast %lt3A_101 : i1 to vector<16xi1>
    %ne3A_103 = vector.broadcast %ne3A_102 : vector<16xi1> to vector<16xi1>
    %ne3A_104 = arith.xori %lt3A_99, %ne3A_103 : vector<16xi1>
    %and3A_105 = arith.andi %ne3A_104, %ne3A_96 : vector<16xi1>
    %add3A_106 = vector.broadcast %select_n3A_91 : i32 to vector<16xi32>
    %add3A_107 = arith.addi %rem3A_93, %add3A_106 : vector<16xi32>
    %select_n3A_108 = arith.select %and3A_105, %add3A_107, %rem3A_93 : vector<16xi1>, vector<16xi32>
    %add3A_109 = arith.constant 3 : i32
    %add3A_110 = vector.broadcast %add3A_109 : i32 to vector<16xi32>
    %add3A_111 = arith.addi %iota3A, %add3A_110 : vector<16xi32>
    %jit3A_112 = arith.constant 16 : i32
    %eq3A_113 = arith.constant 0 : i32
    %eq3A_114 = arith.cmpi eq, %jit3A_112, %eq3A_113 : i32
    %jit3A_115 = arith.constant 1 : i32
    %select_n3A_116 = arith.select %eq3A_114, %jit3A_115, %jit3A_112 : i32
    %rem3A_117 = vector.broadcast %select_n3A_116 : i32 to vector<16xi32>
    %rem3A_118 = arith.remsi %add3A_111, %rem3A_117 : vector<16xi32>
    %ne3A_119 = arith.constant 0 : i32
    %ne3A_120 = vector.broadcast %ne3A_119 : i32 to vector<16xi32>
    %ne3A_121 = arith.cmpi ne, %rem3A_118, %ne3A_120 : vector<16xi32>
    %lt3A_122 = arith.constant 0 : i32
    %lt3A_123 = vector.broadcast %lt3A_122 : i32 to vector<16xi32>
    %lt3A_124 = arith.cmpi slt, %rem3A_118, %lt3A_123 : vector<16xi32>
    %lt3A_125 = arith.constant 0 : i32
    %lt3A_126 = arith.cmpi slt, %select_n3A_116, %lt3A_125 : i32
    %ne3A_127 = vector.broadcast %lt3A_126 : i1 to vector<16xi1>
    %ne3A_128 = vector.broadcast %ne3A_127 : vector<16xi1> to vector<16xi1>
    %ne3A_129 = arith.xori %lt3A_124, %ne3A_128 : vector<16xi1>
    %and3A_130 = arith.andi %ne3A_129, %ne3A_121 : vector<16xi1>
    %add3A_131 = vector.broadcast %select_n3A_116 : i32 to vector<16xi32>
    %add3A_132 = arith.addi %rem3A_118, %add3A_131 : vector<16xi32>
    %select_n3A_133 = arith.select %and3A_130, %add3A_132, %rem3A_118 : vector<16xi1>, vector<16xi32>
    %add3A_134 = arith.constant 4 : i32
    %add3A_135 = vector.broadcast %add3A_134 : i32 to vector<16xi32>
    %add3A_136 = arith.addi %iota3A, %add3A_135 : vector<16xi32>
    %jit3A_137 = arith.constant 16 : i32
    %eq3A_138 = arith.constant 0 : i32
    %eq3A_139 = arith.cmpi eq, %jit3A_137, %eq3A_138 : i32
    %jit3A_140 = arith.constant 1 : i32
    %select_n3A_141 = arith.select %eq3A_139, %jit3A_140, %jit3A_137 : i32
    %rem3A_142 = vector.broadcast %select_n3A_141 : i32 to vector<16xi32>
    %rem3A_143 = arith.remsi %add3A_136, %rem3A_142 : vector<16xi32>
    %ne3A_144 = arith.constant 0 : i32
    %ne3A_145 = vector.broadcast %ne3A_144 : i32 to vector<16xi32>
    %ne3A_146 = arith.cmpi ne, %rem3A_143, %ne3A_145 : vector<16xi32>
    %lt3A_147 = arith.constant 0 : i32
    %lt3A_148 = vector.broadcast %lt3A_147 : i32 to vector<16xi32>
    %lt3A_149 = arith.cmpi slt, %rem3A_143, %lt3A_148 : vector<16xi32>
    %lt3A_150 = arith.constant 0 : i32
    %lt3A_151 = arith.cmpi slt, %select_n3A_141, %lt3A_150 : i32
    %ne3A_152 = vector.broadcast %lt3A_151 : i1 to vector<16xi1>
    %ne3A_153 = vector.broadcast %ne3A_152 : vector<16xi1> to vector<16xi1>
    %ne3A_154 = arith.xori %lt3A_149, %ne3A_153 : vector<16xi1>
    %and3A_155 = arith.andi %ne3A_154, %ne3A_146 : vector<16xi1>
    %add3A_156 = vector.broadcast %select_n3A_141 : i32 to vector<16xi32>
    %add3A_157 = arith.addi %rem3A_143, %add3A_156 : vector<16xi32>
    %select_n3A_158 = arith.select %and3A_155, %add3A_157, %rem3A_143 : vector<16xi1>, vector<16xi32>
    %add3A_159 = arith.constant 5 : i32
    %add3A_160 = vector.broadcast %add3A_159 : i32 to vector<16xi32>
    %add3A_161 = arith.addi %iota3A, %add3A_160 : vector<16xi32>
    %jit3A_162 = arith.constant 16 : i32
    %eq3A_163 = arith.constant 0 : i32
    %eq3A_164 = arith.cmpi eq, %jit3A_162, %eq3A_163 : i32
    %jit3A_165 = arith.constant 1 : i32
    %select_n3A_166 = arith.select %eq3A_164, %jit3A_165, %jit3A_162 : i32
    %rem3A_167 = vector.broadcast %select_n3A_166 : i32 to vector<16xi32>
    %rem3A_168 = arith.remsi %add3A_161, %rem3A_167 : vector<16xi32>
    %ne3A_169 = arith.constant 0 : i32
    %ne3A_170 = vector.broadcast %ne3A_169 : i32 to vector<16xi32>
    %ne3A_171 = arith.cmpi ne, %rem3A_168, %ne3A_170 : vector<16xi32>
    %lt3A_172 = arith.constant 0 : i32
    %lt3A_173 = vector.broadcast %lt3A_172 : i32 to vector<16xi32>
    %lt3A_174 = arith.cmpi slt, %rem3A_168, %lt3A_173 : vector<16xi32>
    %lt3A_175 = arith.constant 0 : i32
    %lt3A_176 = arith.cmpi slt, %select_n3A_166, %lt3A_175 : i32
    %ne3A_177 = vector.broadcast %lt3A_176 : i1 to vector<16xi1>
    %ne3A_178 = vector.broadcast %ne3A_177 : vector<16xi1> to vector<16xi1>
    %ne3A_179 = arith.xori %lt3A_174, %ne3A_178 : vector<16xi1>
    %and3A_180 = arith.andi %ne3A_179, %ne3A_171 : vector<16xi1>
    %add3A_181 = vector.broadcast %select_n3A_166 : i32 to vector<16xi32>
    %add3A_182 = arith.addi %rem3A_168, %add3A_181 : vector<16xi32>
    %select_n3A_183 = arith.select %and3A_180, %add3A_182, %rem3A_168 : vector<16xi1>, vector<16xi32>
    %add3A_184 = arith.constant 6 : i32
    %add3A_185 = vector.broadcast %add3A_184 : i32 to vector<16xi32>
    %add3A_186 = arith.addi %iota3A, %add3A_185 : vector<16xi32>
    %jit3A_187 = arith.constant 16 : i32
    %eq3A_188 = arith.constant 0 : i32
    %eq3A_189 = arith.cmpi eq, %jit3A_187, %eq3A_188 : i32
    %jit3A_190 = arith.constant 1 : i32
    %select_n3A_191 = arith.select %eq3A_189, %jit3A_190, %jit3A_187 : i32
    %rem3A_192 = vector.broadcast %select_n3A_191 : i32 to vector<16xi32>
    %rem3A_193 = arith.remsi %add3A_186, %rem3A_192 : vector<16xi32>
    %ne3A_194 = arith.constant 0 : i32
    %ne3A_195 = vector.broadcast %ne3A_194 : i32 to vector<16xi32>
    %ne3A_196 = arith.cmpi ne, %rem3A_193, %ne3A_195 : vector<16xi32>
    %lt3A_197 = arith.constant 0 : i32
    %lt3A_198 = vector.broadcast %lt3A_197 : i32 to vector<16xi32>
    %lt3A_199 = arith.cmpi slt, %rem3A_193, %lt3A_198 : vector<16xi32>
    %lt3A_200 = arith.constant 0 : i32
    %lt3A_201 = arith.cmpi slt, %select_n3A_191, %lt3A_200 : i32
    %ne3A_202 = vector.broadcast %lt3A_201 : i1 to vector<16xi1>
    %ne3A_203 = vector.broadcast %ne3A_202 : vector<16xi1> to vector<16xi1>
    %ne3A_204 = arith.xori %lt3A_199, %ne3A_203 : vector<16xi1>
    %and3A_205 = arith.andi %ne3A_204, %ne3A_196 : vector<16xi1>
    %add3A_206 = vector.broadcast %select_n3A_191 : i32 to vector<16xi32>
    %add3A_207 = arith.addi %rem3A_193, %add3A_206 : vector<16xi32>
    %select_n3A_208 = arith.select %and3A_205, %add3A_207, %rem3A_193 : vector<16xi1>, vector<16xi32>
    %add3A_209 = arith.constant 7 : i32
    %add3A_210 = vector.broadcast %add3A_209 : i32 to vector<16xi32>
    %add3A_211 = arith.addi %iota3A, %add3A_210 : vector<16xi32>
    %jit3A_212 = arith.constant 16 : i32
    %eq3A_213 = arith.constant 0 : i32
    %eq3A_214 = arith.cmpi eq, %jit3A_212, %eq3A_213 : i32
    %jit3A_215 = arith.constant 1 : i32
    %select_n3A_216 = arith.select %eq3A_214, %jit3A_215, %jit3A_212 : i32
    %rem3A_217 = vector.broadcast %select_n3A_216 : i32 to vector<16xi32>
    %rem3A_218 = arith.remsi %add3A_211, %rem3A_217 : vector<16xi32>
    %ne3A_219 = arith.constant 0 : i32
    %ne3A_220 = vector.broadcast %ne3A_219 : i32 to vector<16xi32>
    %ne3A_221 = arith.cmpi ne, %rem3A_218, %ne3A_220 : vector<16xi32>
    %lt3A_222 = arith.constant 0 : i32
    %lt3A_223 = vector.broadcast %lt3A_222 : i32 to vector<16xi32>
    %lt3A_224 = arith.cmpi slt, %rem3A_218, %lt3A_223 : vector<16xi32>
    %lt3A_225 = arith.constant 0 : i32
    %lt3A_226 = arith.cmpi slt, %select_n3A_216, %lt3A_225 : i32
    %ne3A_227 = vector.broadcast %lt3A_226 : i1 to vector<16xi1>
    %ne3A_228 = vector.broadcast %ne3A_227 : vector<16xi1> to vector<16xi1>
    %ne3A_229 = arith.xori %lt3A_224, %ne3A_228 : vector<16xi1>
    %and3A_230 = arith.andi %ne3A_229, %ne3A_221 : vector<16xi1>
    %add3A_231 = vector.broadcast %select_n3A_216 : i32 to vector<16xi32>
    %add3A_232 = arith.addi %rem3A_218, %add3A_231 : vector<16xi32>
    %select_n3A_233 = arith.select %and3A_230, %add3A_232, %rem3A_218 : vector<16xi1>, vector<16xi32>
    %add3A_234 = arith.constant 8 : i32
    %add3A_235 = vector.broadcast %add3A_234 : i32 to vector<16xi32>
    %add3A_236 = arith.addi %iota3A, %add3A_235 : vector<16xi32>
    %jit3A_237 = arith.constant 16 : i32
    %eq3A_238 = arith.constant 0 : i32
    %eq3A_239 = arith.cmpi eq, %jit3A_237, %eq3A_238 : i32
    %jit3A_240 = arith.constant 1 : i32
    %select_n3A_241 = arith.select %eq3A_239, %jit3A_240, %jit3A_237 : i32
    %rem3A_242 = vector.broadcast %select_n3A_241 : i32 to vector<16xi32>
    %rem3A_243 = arith.remsi %add3A_236, %rem3A_242 : vector<16xi32>
    %ne3A_244 = arith.constant 0 : i32
    %ne3A_245 = vector.broadcast %ne3A_244 : i32 to vector<16xi32>
    %ne3A_246 = arith.cmpi ne, %rem3A_243, %ne3A_245 : vector<16xi32>
    %lt3A_247 = arith.constant 0 : i32
    %lt3A_248 = vector.broadcast %lt3A_247 : i32 to vector<16xi32>
    %lt3A_249 = arith.cmpi slt, %rem3A_243, %lt3A_248 : vector<16xi32>
    %lt3A_250 = arith.constant 0 : i32
    %lt3A_251 = arith.cmpi slt, %select_n3A_241, %lt3A_250 : i32
    %ne3A_252 = vector.broadcast %lt3A_251 : i1 to vector<16xi1>
    %ne3A_253 = vector.broadcast %ne3A_252 : vector<16xi1> to vector<16xi1>
    %ne3A_254 = arith.xori %lt3A_249, %ne3A_253 : vector<16xi1>
    %and3A_255 = arith.andi %ne3A_254, %ne3A_246 : vector<16xi1>
    %add3A_256 = vector.broadcast %select_n3A_241 : i32 to vector<16xi32>
    %add3A_257 = arith.addi %rem3A_243, %add3A_256 : vector<16xi32>
    %select_n3A_258 = arith.select %and3A_255, %add3A_257, %rem3A_243 : vector<16xi1>, vector<16xi32>
    %add3A_259 = arith.constant 9 : i32
    %add3A_260 = vector.broadcast %add3A_259 : i32 to vector<16xi32>
    %add3A_261 = arith.addi %iota3A, %add3A_260 : vector<16xi32>
    %jit3A_262 = arith.constant 16 : i32
    %eq3A_263 = arith.constant 0 : i32
    %eq3A_264 = arith.cmpi eq, %jit3A_262, %eq3A_263 : i32
    %jit3A_265 = arith.constant 1 : i32
    %select_n3A_266 = arith.select %eq3A_264, %jit3A_265, %jit3A_262 : i32
    %rem3A_267 = vector.broadcast %select_n3A_266 : i32 to vector<16xi32>
    %rem3A_268 = arith.remsi %add3A_261, %rem3A_267 : vector<16xi32>
    %ne3A_269 = arith.constant 0 : i32
    %ne3A_270 = vector.broadcast %ne3A_269 : i32 to vector<16xi32>
    %ne3A_271 = arith.cmpi ne, %rem3A_268, %ne3A_270 : vector<16xi32>
    %lt3A_272 = arith.constant 0 : i32
    %lt3A_273 = vector.broadcast %lt3A_272 : i32 to vector<16xi32>
    %lt3A_274 = arith.cmpi slt, %rem3A_268, %lt3A_273 : vector<16xi32>
    %lt3A_275 = arith.constant 0 : i32
    %lt3A_276 = arith.cmpi slt, %select_n3A_266, %lt3A_275 : i32
    %ne3A_277 = vector.broadcast %lt3A_276 : i1 to vector<16xi1>
    %ne3A_278 = vector.broadcast %ne3A_277 : vector<16xi1> to vector<16xi1>
    %ne3A_279 = arith.xori %lt3A_274, %ne3A_278 : vector<16xi1>
    %and3A_280 = arith.andi %ne3A_279, %ne3A_271 : vector<16xi1>
    %add3A_281 = vector.broadcast %select_n3A_266 : i32 to vector<16xi32>
    %add3A_282 = arith.addi %rem3A_268, %add3A_281 : vector<16xi32>
    %select_n3A_283 = arith.select %and3A_280, %add3A_282, %rem3A_268 : vector<16xi1>, vector<16xi32>
    %add3A_284 = arith.constant 10 : i32
    %add3A_285 = vector.broadcast %add3A_284 : i32 to vector<16xi32>
    %add3A_286 = arith.addi %iota3A, %add3A_285 : vector<16xi32>
    %jit3A_287 = arith.constant 16 : i32
    %eq3A_288 = arith.constant 0 : i32
    %eq3A_289 = arith.cmpi eq, %jit3A_287, %eq3A_288 : i32
    %jit3A_290 = arith.constant 1 : i32
    %select_n3A_291 = arith.select %eq3A_289, %jit3A_290, %jit3A_287 : i32
    %rem3A_292 = vector.broadcast %select_n3A_291 : i32 to vector<16xi32>
    %rem3A_293 = arith.remsi %add3A_286, %rem3A_292 : vector<16xi32>
    %ne3A_294 = arith.constant 0 : i32
    %ne3A_295 = vector.broadcast %ne3A_294 : i32 to vector<16xi32>
    %ne3A_296 = arith.cmpi ne, %rem3A_293, %ne3A_295 : vector<16xi32>
    %lt3A_297 = arith.constant 0 : i32
    %lt3A_298 = vector.broadcast %lt3A_297 : i32 to vector<16xi32>
    %lt3A_299 = arith.cmpi slt, %rem3A_293, %lt3A_298 : vector<16xi32>
    %lt3A_300 = arith.constant 0 : i32
    %lt3A_301 = arith.cmpi slt, %select_n3A_291, %lt3A_300 : i32
    %ne3A_302 = vector.broadcast %lt3A_301 : i1 to vector<16xi1>
    %ne3A_303 = vector.broadcast %ne3A_302 : vector<16xi1> to vector<16xi1>
    %ne3A_304 = arith.xori %lt3A_299, %ne3A_303 : vector<16xi1>
    %and3A_305 = arith.andi %ne3A_304, %ne3A_296 : vector<16xi1>
    %add3A_306 = vector.broadcast %select_n3A_291 : i32 to vector<16xi32>
    %add3A_307 = arith.addi %rem3A_293, %add3A_306 : vector<16xi32>
    %select_n3A_308 = arith.select %and3A_305, %add3A_307, %rem3A_293 : vector<16xi1>, vector<16xi32>
    %add3A_309 = arith.constant 11 : i32
    %add3A_310 = vector.broadcast %add3A_309 : i32 to vector<16xi32>
    %add3A_311 = arith.addi %iota3A, %add3A_310 : vector<16xi32>
    %jit3A_312 = arith.constant 16 : i32
    %eq3A_313 = arith.constant 0 : i32
    %eq3A_314 = arith.cmpi eq, %jit3A_312, %eq3A_313 : i32
    %jit3A_315 = arith.constant 1 : i32
    %select_n3A_316 = arith.select %eq3A_314, %jit3A_315, %jit3A_312 : i32
    %rem3A_317 = vector.broadcast %select_n3A_316 : i32 to vector<16xi32>
    %rem3A_318 = arith.remsi %add3A_311, %rem3A_317 : vector<16xi32>
    %ne3A_319 = arith.constant 0 : i32
    %ne3A_320 = vector.broadcast %ne3A_319 : i32 to vector<16xi32>
    %ne3A_321 = arith.cmpi ne, %rem3A_318, %ne3A_320 : vector<16xi32>
    %lt3A_322 = arith.constant 0 : i32
    %lt3A_323 = vector.broadcast %lt3A_322 : i32 to vector<16xi32>
    %lt3A_324 = arith.cmpi slt, %rem3A_318, %lt3A_323 : vector<16xi32>
    %lt3A_325 = arith.constant 0 : i32
    %lt3A_326 = arith.cmpi slt, %select_n3A_316, %lt3A_325 : i32
    %ne3A_327 = vector.broadcast %lt3A_326 : i1 to vector<16xi1>
    %ne3A_328 = vector.broadcast %ne3A_327 : vector<16xi1> to vector<16xi1>
    %ne3A_329 = arith.xori %lt3A_324, %ne3A_328 : vector<16xi1>
    %and3A_330 = arith.andi %ne3A_329, %ne3A_321 : vector<16xi1>
    %add3A_331 = vector.broadcast %select_n3A_316 : i32 to vector<16xi32>
    %add3A_332 = arith.addi %rem3A_318, %add3A_331 : vector<16xi32>
    %select_n3A_333 = arith.select %and3A_330, %add3A_332, %rem3A_318 : vector<16xi1>, vector<16xi32>
    %add3A_334 = arith.constant 12 : i32
    %add3A_335 = vector.broadcast %add3A_334 : i32 to vector<16xi32>
    %add3A_336 = arith.addi %iota3A, %add3A_335 : vector<16xi32>
    %jit3A_337 = arith.constant 16 : i32
    %eq3A_338 = arith.constant 0 : i32
    %eq3A_339 = arith.cmpi eq, %jit3A_337, %eq3A_338 : i32
    %jit3A_340 = arith.constant 1 : i32
    %select_n3A_341 = arith.select %eq3A_339, %jit3A_340, %jit3A_337 : i32
    %rem3A_342 = vector.broadcast %select_n3A_341 : i32 to vector<16xi32>
    %rem3A_343 = arith.remsi %add3A_336, %rem3A_342 : vector<16xi32>
    %ne3A_344 = arith.constant 0 : i32
    %ne3A_345 = vector.broadcast %ne3A_344 : i32 to vector<16xi32>
    %ne3A_346 = arith.cmpi ne, %rem3A_343, %ne3A_345 : vector<16xi32>
    %lt3A_347 = arith.constant 0 : i32
    %lt3A_348 = vector.broadcast %lt3A_347 : i32 to vector<16xi32>
    %lt3A_349 = arith.cmpi slt, %rem3A_343, %lt3A_348 : vector<16xi32>
    %lt3A_350 = arith.constant 0 : i32
    %lt3A_351 = arith.cmpi slt, %select_n3A_341, %lt3A_350 : i32
    %ne3A_352 = vector.broadcast %lt3A_351 : i1 to vector<16xi1>
    %ne3A_353 = vector.broadcast %ne3A_352 : vector<16xi1> to vector<16xi1>
    %ne3A_354 = arith.xori %lt3A_349, %ne3A_353 : vector<16xi1>
    %and3A_355 = arith.andi %ne3A_354, %ne3A_346 : vector<16xi1>
    %add3A_356 = vector.broadcast %select_n3A_341 : i32 to vector<16xi32>
    %add3A_357 = arith.addi %rem3A_343, %add3A_356 : vector<16xi32>
    %select_n3A_358 = arith.select %and3A_355, %add3A_357, %rem3A_343 : vector<16xi1>, vector<16xi32>
    %add3A_359 = arith.constant 13 : i32
    %add3A_360 = vector.broadcast %add3A_359 : i32 to vector<16xi32>
    %add3A_361 = arith.addi %iota3A, %add3A_360 : vector<16xi32>
    %jit3A_362 = arith.constant 16 : i32
    %eq3A_363 = arith.constant 0 : i32
    %eq3A_364 = arith.cmpi eq, %jit3A_362, %eq3A_363 : i32
    %jit3A_365 = arith.constant 1 : i32
    %select_n3A_366 = arith.select %eq3A_364, %jit3A_365, %jit3A_362 : i32
    %rem3A_367 = vector.broadcast %select_n3A_366 : i32 to vector<16xi32>
    %rem3A_368 = arith.remsi %add3A_361, %rem3A_367 : vector<16xi32>
    %ne3A_369 = arith.constant 0 : i32
    %ne3A_370 = vector.broadcast %ne3A_369 : i32 to vector<16xi32>
    %ne3A_371 = arith.cmpi ne, %rem3A_368, %ne3A_370 : vector<16xi32>
    %lt3A_372 = arith.constant 0 : i32
    %lt3A_373 = vector.broadcast %lt3A_372 : i32 to vector<16xi32>
    %lt3A_374 = arith.cmpi slt, %rem3A_368, %lt3A_373 : vector<16xi32>
    %lt3A_375 = arith.constant 0 : i32
    %lt3A_376 = arith.cmpi slt, %select_n3A_366, %lt3A_375 : i32
    %ne3A_377 = vector.broadcast %lt3A_376 : i1 to vector<16xi1>
    %ne3A_378 = vector.broadcast %ne3A_377 : vector<16xi1> to vector<16xi1>
    %ne3A_379 = arith.xori %lt3A_374, %ne3A_378 : vector<16xi1>
    %and3A_380 = arith.andi %ne3A_379, %ne3A_371 : vector<16xi1>
    %add3A_381 = vector.broadcast %select_n3A_366 : i32 to vector<16xi32>
    %add3A_382 = arith.addi %rem3A_368, %add3A_381 : vector<16xi32>
    %select_n3A_383 = arith.select %and3A_380, %add3A_382, %rem3A_368 : vector<16xi1>, vector<16xi32>
    %add3A_384 = arith.constant 14 : i32
    %add3A_385 = vector.broadcast %add3A_384 : i32 to vector<16xi32>
    %add3A_386 = arith.addi %iota3A, %add3A_385 : vector<16xi32>
    %jit3A_387 = arith.constant 16 : i32
    %eq3A_388 = arith.constant 0 : i32
    %eq3A_389 = arith.cmpi eq, %jit3A_387, %eq3A_388 : i32
    %jit3A_390 = arith.constant 1 : i32
    %select_n3A_391 = arith.select %eq3A_389, %jit3A_390, %jit3A_387 : i32
    %rem3A_392 = vector.broadcast %select_n3A_391 : i32 to vector<16xi32>
    %rem3A_393 = arith.remsi %add3A_386, %rem3A_392 : vector<16xi32>
    %ne3A_394 = arith.constant 0 : i32
    %ne3A_395 = vector.broadcast %ne3A_394 : i32 to vector<16xi32>
    %ne3A_396 = arith.cmpi ne, %rem3A_393, %ne3A_395 : vector<16xi32>
    %lt3A_397 = arith.constant 0 : i32
    %lt3A_398 = vector.broadcast %lt3A_397 : i32 to vector<16xi32>
    %lt3A_399 = arith.cmpi slt, %rem3A_393, %lt3A_398 : vector<16xi32>
    %lt3A_400 = arith.constant 0 : i32
    %lt3A_401 = arith.cmpi slt, %select_n3A_391, %lt3A_400 : i32
    %ne3A_402 = vector.broadcast %lt3A_401 : i1 to vector<16xi1>
    %ne3A_403 = vector.broadcast %ne3A_402 : vector<16xi1> to vector<16xi1>
    %ne3A_404 = arith.xori %lt3A_399, %ne3A_403 : vector<16xi1>
    %and3A_405 = arith.andi %ne3A_404, %ne3A_396 : vector<16xi1>
    %add3A_406 = vector.broadcast %select_n3A_391 : i32 to vector<16xi32>
    %add3A_407 = arith.addi %rem3A_393, %add3A_406 : vector<16xi32>
    %select_n3A_408 = arith.select %and3A_405, %add3A_407, %rem3A_393 : vector<16xi1>, vector<16xi32>
    %add3A_409 = arith.constant 15 : i32
    %add3A_410 = vector.broadcast %add3A_409 : i32 to vector<16xi32>
    %add3A_411 = arith.addi %iota3A, %add3A_410 : vector<16xi32>
    %jit3A_412 = arith.constant 16 : i32
    %eq3A_413 = arith.constant 0 : i32
    %eq3A_414 = arith.cmpi eq, %jit3A_412, %eq3A_413 : i32
    %jit3A_415 = arith.constant 1 : i32
    %select_n3A_416 = arith.select %eq3A_414, %jit3A_415, %jit3A_412 : i32
    %rem3A_417 = vector.broadcast %select_n3A_416 : i32 to vector<16xi32>
    %rem3A_418 = arith.remsi %add3A_411, %rem3A_417 : vector<16xi32>
    %ne3A_419 = arith.constant 0 : i32
    %ne3A_420 = vector.broadcast %ne3A_419 : i32 to vector<16xi32>
    %ne3A_421 = arith.cmpi ne, %rem3A_418, %ne3A_420 : vector<16xi32>
    %lt3A_422 = arith.constant 0 : i32
    %lt3A_423 = vector.broadcast %lt3A_422 : i32 to vector<16xi32>
    %lt3A_424 = arith.cmpi slt, %rem3A_418, %lt3A_423 : vector<16xi32>
    %lt3A_425 = arith.constant 0 : i32
    %lt3A_426 = arith.cmpi slt, %select_n3A_416, %lt3A_425 : i32
    %ne3A_427 = vector.broadcast %lt3A_426 : i1 to vector<16xi1>
    %ne3A_428 = vector.broadcast %ne3A_427 : vector<16xi1> to vector<16xi1>
    %ne3A_429 = arith.xori %lt3A_424, %ne3A_428 : vector<16xi1>
    %and3A_430 = arith.andi %ne3A_429, %ne3A_421 : vector<16xi1>
    %add3A_431 = vector.broadcast %select_n3A_416 : i32 to vector<16xi32>
    %add3A_432 = arith.addi %rem3A_418, %add3A_431 : vector<16xi32>
    %select_n3A_433 = arith.select %and3A_430, %add3A_432, %rem3A_418 : vector<16xi1>, vector<16xi32>
    %add3A_434 = arith.addi %mul3A_36, %select_n3A_58 : vector<16xi32>
    %add3A_435 = arith.addi %mul3A_36, %select_n3A_83 : vector<16xi32>
    %add3A_436 = arith.addi %mul3A_36, %select_n3A_108 : vector<16xi32>
    %add3A_437 = arith.addi %mul3A_36, %select_n3A_133 : vector<16xi32>
    %add3A_438 = arith.addi %mul3A_36, %select_n3A_158 : vector<16xi32>
    %add3A_439 = arith.addi %mul3A_36, %select_n3A_183 : vector<16xi32>
    %add3A_440 = arith.addi %mul3A_36, %select_n3A_208 : vector<16xi32>
    %add3A_441 = arith.addi %mul3A_36, %select_n3A_233 : vector<16xi32>
    %add3A_442 = arith.addi %mul3A_36, %select_n3A_258 : vector<16xi32>
    %add3A_443 = arith.addi %mul3A_36, %select_n3A_283 : vector<16xi32>
    %add3A_444 = arith.addi %mul3A_36, %select_n3A_308 : vector<16xi32>
    %add3A_445 = arith.addi %mul3A_36, %select_n3A_333 : vector<16xi32>
    %add3A_446 = arith.addi %mul3A_36, %select_n3A_358 : vector<16xi32>
    %add3A_447 = arith.addi %mul3A_36, %select_n3A_383 : vector<16xi32>
    %add3A_448 = arith.addi %mul3A_36, %select_n3A_408 : vector<16xi32>
    %add3A_449 = arith.addi %mul3A_36, %select_n3A_433 : vector<16xi32>
    %lt3A_450 = arith.constant 2 : i32
    %lt3A_451 = arith.cmpi slt, %add3A, %lt3A_450 : i32
    %jit3A_452 = arith.constant 40 : i32
    %jit3A_453 = arith.constant 39 : i32
    %select_n3A_454 = arith.select %lt3A_451, %jit3A_452, %jit3A_453 : i32
    %while3A_455 = arith.constant 0 : i32
    %while3A_456 = arith.constant 0 : i32
    %while3A_457 = arith.subi %select_n3A_454, %while3A_456 : i32
    %while3A_458 = arith.addi %while3A_456, %while3A_457 : i32
    %while3A_459 = arith.constant 1 : i32
    %while3A_460 = arith.divsi %while3A_457, %while3A_459 : i32
    %while3A_461 = arith.muli %while3A_460, %while3A_459 : i32
    %while3A_462 = arith.addi %while3A_456, %while3A_461 : i32
    %while3A_463 = arith.constant 1 : i32
    scf.for %while3A_481 = %while3A_456 to %while3A_462 step %while3A_463  : i32 {
      %mul3A_482 = arith.constant 32 : i32
      %mul3A_483 = arith.muli %while3A_481, %mul3A_482 : i32
      %add3A_484 = arith.addi %add3A, %mul3A_483 : i32
      %mul3A_485 = arith.constant 128 : i32
      %mul3A_486 = arith.muli %add3A_484, %mul3A_485 : i32
      %run_scoped3A = arith.constant 0 : i32
      "tpu.region"() ({
        %run_scoped3A_516 = tpu.sem_alloc : memref<!tpu.dma_semaphore, #tpu.memory_space<semaphore_mem>>
        %dma_start3A_517 = tpu.memref_slice %arg3[%run_scoped3A, %mul3A_486] : memref<2x160000xi32, #tpu.memory_space<hbm>> -> memref<1x128xi32, #tpu.memory_space<hbm>>
        %dma_start3A_518 = tpu.memref_squeeze %dma_start3A_517 : memref<1x128xi32, #tpu.memory_space<hbm>> -> memref<128xi32, #tpu.memory_space<hbm>>
        %dma_start3A_519 = tpu.memref_slice %arg3[%run_scoped3A, %mul3A_486] : memref<2x160000xi32, #tpu.memory_space<hbm>> -> memref<1x128xi32, #tpu.memory_space<hbm>>
        %dma_start3A_520 = tpu.memref_squeeze %dma_start3A_519 : memref<1x128xi32, #tpu.memory_space<hbm>> -> memref<128xi32, #tpu.memory_space<hbm>>
        tpu.enqueue_dma source(%dma_start3A_520 : memref<128xi32, #tpu.memory_space<hbm>>) target(%arg7 : memref<128xi32, #tpu.memory_space<vmem>>) target_semaphore(%run_scoped3A_516 : memref<!tpu.dma_semaphore, #tpu.memory_space<semaphore_mem>>)
        %dma_wait3A_521 = tpu.memref_slice %arg3[%run_scoped3A, %mul3A_486] : memref<2x160000xi32, #tpu.memory_space<hbm>> -> memref<1x128xi32, #tpu.memory_space<hbm>>
        %dma_wait3A_522 = tpu.memref_squeeze %dma_wait3A_521 : memref<1x128xi32, #tpu.memory_space<hbm>> -> memref<128xi32, #tpu.memory_space<hbm>>
        %dma_wait3A_523 = tpu.memref_slice %arg3[%run_scoped3A, %mul3A_486] : memref<2x160000xi32, #tpu.memory_space<hbm>> -> memref<1x128xi32, #tpu.memory_space<hbm>>
        %dma_wait3A_524 = tpu.memref_squeeze %dma_wait3A_523 : memref<1x128xi32, #tpu.memory_space<hbm>> -> memref<128xi32, #tpu.memory_space<hbm>>
        tpu.wait_dma2 semaphore(%run_scoped3A_516 : memref<!tpu.dma_semaphore, #tpu.memory_space<semaphore_mem>>) src(%dma_wait3A_524 : memref<128xi32, #tpu.memory_space<hbm>>) dst(%arg7 : memref<128xi32, #tpu.memory_space<vmem>>)
        tpu.yield
      }) : () -> ()
      %run_scoped3A_487 = arith.constant 1 : i32
      "tpu.region"() ({
        %run_scoped3A_516 = tpu.sem_alloc : memref<!tpu.dma_semaphore, #tpu.memory_space<semaphore_mem>>
        %dma_start3A_517 = tpu.memref_slice %arg3[%run_scoped3A_487, %mul3A_486] : memref<2x160000xi32, #tpu.memory_space<hbm>> -> memref<1x128xi32, #tpu.memory_space<hbm>>
        %dma_start3A_518 = tpu.memref_squeeze %dma_start3A_517 : memref<1x128xi32, #tpu.memory_space<hbm>> -> memref<128xi32, #tpu.memory_space<hbm>>
        %dma_start3A_519 = tpu.memref_slice %arg3[%run_scoped3A_487, %mul3A_486] : memref<2x160000xi32, #tpu.memory_space<hbm>> -> memref<1x128xi32, #tpu.memory_space<hbm>>
        %dma_start3A_520 = tpu.memref_squeeze %dma_start3A_519 : memref<1x128xi32, #tpu.memory_space<hbm>> -> memref<128xi32, #tpu.memory_space<hbm>>
        tpu.enqueue_dma source(%dma_start3A_520 : memref<128xi32, #tpu.memory_space<hbm>>) target(%arg8 : memref<128xi32, #tpu.memory_space<vmem>>) target_semaphore(%run_scoped3A_516 : memref<!tpu.dma_semaphore, #tpu.memory_space<semaphore_mem>>)
        %dma_wait3A_521 = tpu.memref_slice %arg3[%run_scoped3A_487, %mul3A_486] : memref<2x160000xi32, #tpu.memory_space<hbm>> -> memref<1x128xi32, #tpu.memory_space<hbm>>
        %dma_wait3A_522 = tpu.memref_squeeze %dma_wait3A_521 : memref<1x128xi32, #tpu.memory_space<hbm>> -> memref<128xi32, #tpu.memory_space<hbm>>
        %dma_wait3A_523 = tpu.memref_slice %arg3[%run_scoped3A_487, %mul3A_486] : memref<2x160000xi32, #tpu.memory_space<hbm>> -> memref<1x128xi32, #tpu.memory_space<hbm>>
        %dma_wait3A_524 = tpu.memref_squeeze %dma_wait3A_523 : memref<1x128xi32, #tpu.memory_space<hbm>> -> memref<128xi32, #tpu.memory_space<hbm>>
        tpu.wait_dma2 semaphore(%run_scoped3A_516 : memref<!tpu.dma_semaphore, #tpu.memory_space<semaphore_mem>>) src(%dma_wait3A_524 : memref<128xi32, #tpu.memory_space<hbm>>) dst(%arg8 : memref<128xi32, #tpu.memory_space<vmem>>)
        tpu.yield
      }) : () -> ()
      %dma_start3A = arith.constant 0 : i32
      %dma_start3A_488 = arith.constant 0 : i32
      %dma_start3A_489 = tpu.memref_slice %arg2[%dma_start3A, %dma_start3A_488] : memref<10000x16xf32, #tpu.memory_space<hbm>> -> memref<10000x16xf32, #tpu.memory_space<hbm>>
      tpu.enqueue_indirect_dma source(%dma_start3A_489 : memref<10000x16xf32, #tpu.memory_space<hbm>>) target(%arg9 : memref<128x16xf32, #tpu.memory_space<vmem>>) offsets(%arg7 : memref<128xi32, #tpu.memory_space<vmem>>) semaphore(%arg14 : memref<!tpu.dma_semaphore, #tpu.memory_space<semaphore_mem>>)
      %dma_wait3A = arith.constant 0 : i32
      %dma_wait3A_490 = arith.constant 0 : i32
      %dma_wait3A_491 = tpu.memref_slice %arg2[%dma_wait3A, %dma_wait3A_490] : memref<10000x16xf32, #tpu.memory_space<hbm>> -> memref<10000x16xf32, #tpu.memory_space<hbm>>
      tpu.wait_indirect_dma semaphore(%arg14 : memref<!tpu.dma_semaphore, #tpu.memory_space<semaphore_mem>>) src(%dma_wait3A_491 : memref<10000x16xf32, #tpu.memory_space<hbm>>) dst(%arg9 : memref<128x16xf32, #tpu.memory_space<vmem>>)
      %dma_start3A_492 = arith.constant 0 : i32
      %dma_start3A_493 = arith.constant 0 : i32
      %dma_start3A_494 = tpu.memref_slice %arg2[%dma_start3A_492, %dma_start3A_493] : memref<10000x16xf32, #tpu.memory_space<hbm>> -> memref<10000x16xf32, #tpu.memory_space<hbm>>
      tpu.enqueue_indirect_dma source(%dma_start3A_494 : memref<10000x16xf32, #tpu.memory_space<hbm>>) target(%arg10 : memref<128x16xf32, #tpu.memory_space<vmem>>) offsets(%arg8 : memref<128xi32, #tpu.memory_space<vmem>>) semaphore(%arg14 : memref<!tpu.dma_semaphore, #tpu.memory_space<semaphore_mem>>)
      %dma_wait3A_495 = arith.constant 0 : i32
      %dma_wait3A_496 = arith.constant 0 : i32
      %dma_wait3A_497 = tpu.memref_slice %arg2[%dma_wait3A_495, %dma_wait3A_496] : memref<10000x16xf32, #tpu.memory_space<hbm>> -> memref<10000x16xf32, #tpu.memory_space<hbm>>
      tpu.wait_indirect_dma semaphore(%arg14 : memref<!tpu.dma_semaphore, #tpu.memory_space<semaphore_mem>>) src(%dma_wait3A_497 : memref<10000x16xf32, #tpu.memory_space<hbm>>) dst(%arg10 : memref<128x16xf32, #tpu.memory_space<vmem>>)
      %mul3A_498 = arith.constant 256 : i32
      %mul3A_499 = arith.muli %mul3A_486, %mul3A_498 : i32
      "tpu.region"() ({
        %run_scoped3A_516 = tpu.sem_alloc : memref<!tpu.dma_semaphore, #tpu.memory_space<semaphore_mem>>
        %dma_start3A_517 = tpu.memref_slice %arg4[%mul3A_499] : memref<81920000xf32, #tpu.memory_space<hbm>> -> memref<32768xf32, #tpu.memory_space<hbm>>
        %dma_start3A_518 = tpu.memref_slice %arg4[%mul3A_499] : memref<81920000xf32, #tpu.memory_space<hbm>> -> memref<32768xf32, #tpu.memory_space<hbm>>
        tpu.enqueue_dma source(%dma_start3A_518 : memref<32768xf32, #tpu.memory_space<hbm>>) target(%arg11 : memref<32768xf32, #tpu.memory_space<vmem>>) target_semaphore(%run_scoped3A_516 : memref<!tpu.dma_semaphore, #tpu.memory_space<semaphore_mem>>)
        %dma_wait3A_519 = tpu.memref_slice %arg4[%mul3A_499] : memref<81920000xf32, #tpu.memory_space<hbm>> -> memref<32768xf32, #tpu.memory_space<hbm>>
        %dma_wait3A_520 = tpu.memref_slice %arg4[%mul3A_499] : memref<81920000xf32, #tpu.memory_space<hbm>> -> memref<32768xf32, #tpu.memory_space<hbm>>
        tpu.wait_dma2 semaphore(%run_scoped3A_516 : memref<!tpu.dma_semaphore, #tpu.memory_space<semaphore_mem>>) src(%dma_wait3A_520 : memref<32768xf32, #tpu.memory_space<hbm>>) dst(%arg11 : memref<32768xf32, #tpu.memory_space<vmem>>)
        tpu.yield
      }) : () -> ()
      "tpu.region"() ({
        %run_scoped3A_516 = tpu.sem_alloc : memref<!tpu.dma_semaphore, #tpu.memory_space<semaphore_mem>>
        %dma_start3A_517 = tpu.memref_slice %arg5[%mul3A_486] : memref<320000xf32, #tpu.memory_space<hbm>> -> memref<128xf32, #tpu.memory_space<hbm>>
        %dma_start3A_518 = tpu.memref_slice %arg5[%mul3A_486] : memref<320000xf32, #tpu.memory_space<hbm>> -> memref<128xf32, #tpu.memory_space<hbm>>
        tpu.enqueue_dma source(%dma_start3A_518 : memref<128xf32, #tpu.memory_space<hbm>>) target(%arg12 : memref<128xf32, #tpu.memory_space<vmem>>) target_semaphore(%run_scoped3A_516 : memref<!tpu.dma_semaphore, #tpu.memory_space<semaphore_mem>>)
        %dma_wait3A_519 = tpu.memref_slice %arg5[%mul3A_486] : memref<320000xf32, #tpu.memory_space<hbm>> -> memref<128xf32, #tpu.memory_space<hbm>>
        %dma_wait3A_520 = tpu.memref_slice %arg5[%mul3A_486] : memref<320000xf32, #tpu.memory_space<hbm>> -> memref<128xf32, #tpu.memory_space<hbm>>
        tpu.wait_dma2 semaphore(%run_scoped3A_516 : memref<!tpu.dma_semaphore, #tpu.memory_space<semaphore_mem>>) src(%dma_wait3A_520 : memref<128xf32, #tpu.memory_space<hbm>>) dst(%arg12 : memref<128xf32, #tpu.memory_space<vmem>>)
        tpu.yield
      }) : () -> ()
      %scan3A_500 = arith.constant 0 : i32
      %scan3A_501 = arith.constant 0 : i32
      %scan3A_502 = arith.constant 128 : i32
      %scan3A_503 = arith.addi %scan3A_501, %scan3A_502 : i32
      %scan3A_504 = arith.constant 1 : i32
      scf.for %scan3A_516 = %scan3A_501 to %scan3A_503 step %scan3A_504  : i32 {
        %broadcast_in_dim3A_517 = vector.broadcast %scan3A_516 : i32 to vector<16xi32>
        %mul3A_518 = arith.constant 256 : i32
        %mul3A_519 = arith.muli %scan3A_516, %mul3A_518 : i32
        %broadcast_in_dim3A_520 = vector.broadcast %mul3A_519 : i32 to vector<16xi32>
        %get3A = arith.index_cast %scan3A_516 : i32 to index
        %get3A_521 = arith.constant 0 : index
        %get3A_522 = tpu.vector_load %arg9[%get3A, %get3A_521] {strides = array<i32>} : memref<128x16xf32, #tpu.memory_space<vmem>>, vector<16xf32>,
        %add3A_523 = arith.addi %add3A_434, %broadcast_in_dim3A_520 : vector<16xi32>
        %gather3A = tpu.vector_load_idx %arg11[%add3A_523] : memref<32768xf32, #tpu.memory_space<vmem>>[vector<16xi32>], vector<16xf32>,
        %broadcast_in_dim3A_524 = vector.shape_cast %select_n3A_58 : vector<16xi32> to vector<16x1xi32>
        %gather3A_525 = vector.shape_cast %broadcast_in_dim3A_524 : vector<16x1xi32> to vector<16xi32>
        %gather3A_526 = tpu.dynamic_gather %get3A_522[%gather3A_525] in [0] : vector<16xf32>, vector<16xi32> -> vector<16xf32>
        %mul3A_527 = arith.mulf %gather3A, %gather3A_526 : vector<16xf32>
        %add3A_528 = arith.addf %broadcast_in_dim3A_1, %mul3A_527 : vector<16xf32>
        %add3A_529 = arith.addi %add3A_435, %broadcast_in_dim3A_520 : vector<16xi32>
        %gather3A_530 = tpu.vector_load_idx %arg11[%add3A_529] : memref<32768xf32, #tpu.memory_space<vmem>>[vector<16xi32>], vector<16xf32>,
        %broadcast_in_dim3A_531 = vector.shape_cast %select_n3A_83 : vector<16xi32> to vector<16x1xi32>
        %gather3A_532 = vector.shape_cast %broadcast_in_dim3A_531 : vector<16x1xi32> to vector<16xi32>
        %gather3A_533 = tpu.dynamic_gather %get3A_522[%gather3A_532] in [0] : vector<16xf32>, vector<16xi32> -> vector<16xf32>
        %mul3A_534 = arith.mulf %gather3A_530, %gather3A_533 : vector<16xf32>
        %add3A_535 = arith.addf %broadcast_in_dim3A_1, %mul3A_534 : vector<16xf32>
        %add3A_536 = arith.addi %add3A_436, %broadcast_in_dim3A_520 : vector<16xi32>
        %gather3A_537 = tpu.vector_load_idx %arg11[%add3A_536] : memref<32768xf32, #tpu.memory_space<vmem>>[vector<16xi32>], vector<16xf32>,
        %broadcast_in_dim3A_538 = vector.shape_cast %select_n3A_108 : vector<16xi32> to vector<16x1xi32>
        %gather3A_539 = vector.shape_cast %broadcast_in_dim3A_538 : vector<16x1xi32> to vector<16xi32>
        %gather3A_540 = tpu.dynamic_gather %get3A_522[%gather3A_539] in [0] : vector<16xf32>, vector<16xi32> -> vector<16xf32>
        %mul3A_541 = arith.mulf %gather3A_537, %gather3A_540 : vector<16xf32>
        %add3A_542 = arith.addf %broadcast_in_dim3A_1, %mul3A_541 : vector<16xf32>
        %add3A_543 = arith.addi %add3A_437, %broadcast_in_dim3A_520 : vector<16xi32>
        %gather3A_544 = tpu.vector_load_idx %arg11[%add3A_543] : memref<32768xf32, #tpu.memory_space<vmem>>[vector<16xi32>], vector<16xf32>,
        %broadcast_in_dim3A_545 = vector.shape_cast %select_n3A_133 : vector<16xi32> to vector<16x1xi32>
        %gather3A_546 = vector.shape_cast %broadcast_in_dim3A_545 : vector<16x1xi32> to vector<16xi32>
        %gather3A_547 = tpu.dynamic_gather %get3A_522[%gather3A_546] in [0] : vector<16xf32>, vector<16xi32> -> vector<16xf32>
        %mul3A_548 = arith.mulf %gather3A_544, %gather3A_547 : vector<16xf32>
        %add3A_549 = arith.addf %broadcast_in_dim3A_1, %mul3A_548 : vector<16xf32>
        %add3A_550 = arith.addi %add3A_438, %broadcast_in_dim3A_520 : vector<16xi32>
        %gather3A_551 = tpu.vector_load_idx %arg11[%add3A_550] : memref<32768xf32, #tpu.memory_space<vmem>>[vector<16xi32>], vector<16xf32>,
        %broadcast_in_dim3A_552 = vector.shape_cast %select_n3A_158 : vector<16xi32> to vector<16x1xi32>
        %gather3A_553 = vector.shape_cast %broadcast_in_dim3A_552 : vector<16x1xi32> to vector<16xi32>
        %gather3A_554 = tpu.dynamic_gather %get3A_522[%gather3A_553] in [0] : vector<16xf32>, vector<16xi32> -> vector<16xf32>
        %mul3A_555 = arith.mulf %gather3A_551, %gather3A_554 : vector<16xf32>
        %add3A_556 = arith.addf %add3A_528, %mul3A_555 : vector<16xf32>
        %add3A_557 = arith.addi %add3A_439, %broadcast_in_dim3A_520 : vector<16xi32>
        %gather3A_558 = tpu.vector_load_idx %arg11[%add3A_557] : memref<32768xf32, #tpu.memory_space<vmem>>[vector<16xi32>], vector<16xf32>,
        %broadcast_in_dim3A_559 = vector.shape_cast %select_n3A_183 : vector<16xi32> to vector<16x1xi32>
        %gather3A_560 = vector.shape_cast %broadcast_in_dim3A_559 : vector<16x1xi32> to vector<16xi32>
        %gather3A_561 = tpu.dynamic_gather %get3A_522[%gather3A_560] in [0] : vector<16xf32>, vector<16xi32> -> vector<16xf32>
        %mul3A_562 = arith.mulf %gather3A_558, %gather3A_561 : vector<16xf32>
        %add3A_563 = arith.addf %add3A_535, %mul3A_562 : vector<16xf32>
        %add3A_564 = arith.addi %add3A_440, %broadcast_in_dim3A_520 : vector<16xi32>
        %gather3A_565 = tpu.vector_load_idx %arg11[%add3A_564] : memref<32768xf32, #tpu.memory_space<vmem>>[vector<16xi32>], vector<16xf32>,
        %broadcast_in_dim3A_566 = vector.shape_cast %select_n3A_208 : vector<16xi32> to vector<16x1xi32>
        %gather3A_567 = vector.shape_cast %broadcast_in_dim3A_566 : vector<16x1xi32> to vector<16xi32>
        %gather3A_568 = tpu.dynamic_gather %get3A_522[%gather3A_567] in [0] : vector<16xf32>, vector<16xi32> -> vector<16xf32>
        %mul3A_569 = arith.mulf %gather3A_565, %gather3A_568 : vector<16xf32>
        %add3A_570 = arith.addf %add3A_542, %mul3A_569 : vector<16xf32>
        %add3A_571 = arith.addi %add3A_441, %broadcast_in_dim3A_520 : vector<16xi32>
        %gather3A_572 = tpu.vector_load_idx %arg11[%add3A_571] : memref<32768xf32, #tpu.memory_space<vmem>>[vector<16xi32>], vector<16xf32>,
        %broadcast_in_dim3A_573 = vector.shape_cast %select_n3A_233 : vector<16xi32> to vector<16x1xi32>
        %gather3A_574 = vector.shape_cast %broadcast_in_dim3A_573 : vector<16x1xi32> to vector<16xi32>
        %gather3A_575 = tpu.dynamic_gather %get3A_522[%gather3A_574] in [0] : vector<16xf32>, vector<16xi32> -> vector<16xf32>
        %mul3A_576 = arith.mulf %gather3A_572, %gather3A_575 : vector<16xf32>
        %add3A_577 = arith.addf %add3A_549, %mul3A_576 : vector<16xf32>
        %add3A_578 = arith.addi %add3A_442, %broadcast_in_dim3A_520 : vector<16xi32>
        %gather3A_579 = tpu.vector_load_idx %arg11[%add3A_578] : memref<32768xf32, #tpu.memory_space<vmem>>[vector<16xi32>], vector<16xf32>,
        %broadcast_in_dim3A_580 = vector.shape_cast %select_n3A_258 : vector<16xi32> to vector<16x1xi32>
        %gather3A_581 = vector.shape_cast %broadcast_in_dim3A_580 : vector<16x1xi32> to vector<16xi32>
        %gather3A_582 = tpu.dynamic_gather %get3A_522[%gather3A_581] in [0] : vector<16xf32>, vector<16xi32> -> vector<16xf32>
        %mul3A_583 = arith.mulf %gather3A_579, %gather3A_582 : vector<16xf32>
        %add3A_584 = arith.addf %add3A_556, %mul3A_583 : vector<16xf32>
        %add3A_585 = arith.addi %add3A_443, %broadcast_in_dim3A_520 : vector<16xi32>
        %gather3A_586 = tpu.vector_load_idx %arg11[%add3A_585] : memref<32768xf32, #tpu.memory_space<vmem>>[vector<16xi32>], vector<16xf32>,
        %broadcast_in_dim3A_587 = vector.shape_cast %select_n3A_283 : vector<16xi32> to vector<16x1xi32>
        %gather3A_588 = vector.shape_cast %broadcast_in_dim3A_587 : vector<16x1xi32> to vector<16xi32>
        %gather3A_589 = tpu.dynamic_gather %get3A_522[%gather3A_588] in [0] : vector<16xf32>, vector<16xi32> -> vector<16xf32>
        %mul3A_590 = arith.mulf %gather3A_586, %gather3A_589 : vector<16xf32>
        %add3A_591 = arith.addf %add3A_563, %mul3A_590 : vector<16xf32>
        %add3A_592 = arith.addi %add3A_444, %broadcast_in_dim3A_520 : vector<16xi32>
        %gather3A_593 = tpu.vector_load_idx %arg11[%add3A_592] : memref<32768xf32, #tpu.memory_space<vmem>>[vector<16xi32>], vector<16xf32>,
        %broadcast_in_dim3A_594 = vector.shape_cast %select_n3A_308 : vector<16xi32> to vector<16x1xi32>
        %gather3A_595 = vector.shape_cast %broadcast_in_dim3A_594 : vector<16x1xi32> to vector<16xi32>
        %gather3A_596 = tpu.dynamic_gather %get3A_522[%gather3A_595] in [0] : vector<16xf32>, vector<16xi32> -> vector<16xf32>
        %mul3A_597 = arith.mulf %gather3A_593, %gather3A_596 : vector<16xf32>
        %add3A_598 = arith.addf %add3A_570, %mul3A_597 : vector<16xf32>
        %add3A_599 = arith.addi %add3A_445, %broadcast_in_dim3A_520 : vector<16xi32>
        %gather3A_600 = tpu.vector_load_idx %arg11[%add3A_599] : memref<32768xf32, #tpu.memory_space<vmem>>[vector<16xi32>], vector<16xf32>,
        %broadcast_in_dim3A_601 = vector.shape_cast %select_n3A_333 : vector<16xi32> to vector<16x1xi32>
        %gather3A_602 = vector.shape_cast %broadcast_in_dim3A_601 : vector<16x1xi32> to vector<16xi32>
        %gather3A_603 = tpu.dynamic_gather %get3A_522[%gather3A_602] in [0] : vector<16xf32>, vector<16xi32> -> vector<16xf32>
        %mul3A_604 = arith.mulf %gather3A_600, %gather3A_603 : vector<16xf32>
        %add3A_605 = arith.addf %add3A_577, %mul3A_604 : vector<16xf32>
        %add3A_606 = arith.addi %add3A_446, %broadcast_in_dim3A_520 : vector<16xi32>
        %gather3A_607 = tpu.vector_load_idx %arg11[%add3A_606] : memref<32768xf32, #tpu.memory_space<vmem>>[vector<16xi32>], vector<16xf32>,
        %broadcast_in_dim3A_608 = vector.shape_cast %select_n3A_358 : vector<16xi32> to vector<16x1xi32>
        %gather3A_609 = vector.shape_cast %broadcast_in_dim3A_608 : vector<16x1xi32> to vector<16xi32>
        %gather3A_610 = tpu.dynamic_gather %get3A_522[%gather3A_609] in [0] : vector<16xf32>, vector<16xi32> -> vector<16xf32>
        %mul3A_611 = arith.mulf %gather3A_607, %gather3A_610 : vector<16xf32>
        %add3A_612 = arith.addf %add3A_584, %mul3A_611 : vector<16xf32>
        %add3A_613 = arith.addi %add3A_447, %broadcast_in_dim3A_520 : vector<16xi32>
        %gather3A_614 = tpu.vector_load_idx %arg11[%add3A_613] : memref<32768xf32, #tpu.memory_space<vmem>>[vector<16xi32>], vector<16xf32>,
        %broadcast_in_dim3A_615 = vector.shape_cast %select_n3A_383 : vector<16xi32> to vector<16x1xi32>
        %gather3A_616 = vector.shape_cast %broadcast_in_dim3A_615 : vector<16x1xi32> to vector<16xi32>
        %gather3A_617 = tpu.dynamic_gather %get3A_522[%gather3A_616] in [0] : vector<16xf32>, vector<16xi32> -> vector<16xf32>
        %mul3A_618 = arith.mulf %gather3A_614, %gather3A_617 : vector<16xf32>
        %add3A_619 = arith.addf %add3A_591, %mul3A_618 : vector<16xf32>
        %add3A_620 = arith.addi %add3A_448, %broadcast_in_dim3A_520 : vector<16xi32>
        %gather3A_621 = tpu.vector_load_idx %arg11[%add3A_620] : memref<32768xf32, #tpu.memory_space<vmem>>[vector<16xi32>], vector<16xf32>,
        %broadcast_in_dim3A_622 = vector.shape_cast %select_n3A_408 : vector<16xi32> to vector<16x1xi32>
        %gather3A_623 = vector.shape_cast %broadcast_in_dim3A_622 : vector<16x1xi32> to vector<16xi32>
        %gather3A_624 = tpu.dynamic_gather %get3A_522[%gather3A_623] in [0] : vector<16xf32>, vector<16xi32> -> vector<16xf32>
        %mul3A_625 = arith.mulf %gather3A_621, %gather3A_624 : vector<16xf32>
        %add3A_626 = arith.addf %add3A_598, %mul3A_625 : vector<16xf32>
        %add3A_627 = arith.addi %add3A_449, %broadcast_in_dim3A_520 : vector<16xi32>
        %gather3A_628 = tpu.vector_load_idx %arg11[%add3A_627] : memref<32768xf32, #tpu.memory_space<vmem>>[vector<16xi32>], vector<16xf32>,
        %broadcast_in_dim3A_629 = vector.shape_cast %select_n3A_433 : vector<16xi32> to vector<16x1xi32>
        %gather3A_630 = vector.shape_cast %broadcast_in_dim3A_629 : vector<16x1xi32> to vector<16xi32>
        %gather3A_631 = tpu.dynamic_gather %get3A_522[%gather3A_630] in [0] : vector<16xf32>, vector<16xi32> -> vector<16xf32>
        %mul3A_632 = arith.mulf %gather3A_628, %gather3A_631 : vector<16xf32>
        %add3A_633 = arith.addf %add3A_605, %mul3A_632 : vector<16xf32>
        %add3A_634 = arith.addf %add3A_612, %add3A_619 : vector<16xf32>
        %add3A_635 = arith.addf %add3A_626, %add3A_633 : vector<16xf32>
        %add3A_636 = arith.addf %add3A_634, %add3A_635 : vector<16xf32>
        %get3A_637 = arith.index_cast %scan3A_516 : i32 to index
        %get3A_638 = arith.constant 0 : index
        %get3A_639 = tpu.vector_load %arg10[%get3A_637, %get3A_638] {strides = array<i32>} : memref<128x16xf32, #tpu.memory_space<vmem>>, vector<16xf32>,
        %sub3A = arith.subf %add3A_636, %get3A_639 : vector<16xf32>
        %gather3A_640 = tpu.vector_load_idx %arg12[%broadcast_in_dim3A_517] : memref<128xf32, #tpu.memory_space<vmem>>[vector<16xi32>], vector<16xf32>,
        %mul3A_641 = arith.mulf %gather3A_640, %sub3A : vector<16xf32>
        %swap3A = arith.index_cast %scan3A_516 : i32 to index
        %swap3A_642 = arith.constant 0 : index
        %swap3A_643 = tpu.vector_load %arg13[%swap3A, %swap3A_642] {strides = array<i32>} : memref<128x32xf32, #tpu.memory_space<vmem>>, vector<16xf32>,
        tpu.vector_store %arg13[%swap3A, %swap3A_642], %mul3A_641 {strides = array<i32>} : memref<128x32xf32, #tpu.memory_space<vmem>>, vector<16xf32>,
      }
      %scan3A_505 = arith.constant 128 : i32
      "tpu.region"() ({
        %run_scoped3A_516 = tpu.sem_alloc : memref<!tpu.dma_semaphore, #tpu.memory_space<semaphore_mem>>
        %dma_start3A_517 = arith.constant 0 : i32
        %dma_start3A_518 = arith.constant 0 : i32
        %dma_start3A_519 = tpu.memref_slice %arg15[%dma_start3A_517, %dma_start3A_518] : memref<10000x32xf32, #tpu.memory_space<vmem_shared>> -> memref<10000x32xf32, #tpu.memory_space<vmem_shared>>
        tpu.enqueue_indirect_dma source(%arg13 : memref<128x32xf32, #tpu.memory_space<vmem>>) target(%dma_start3A_519 : memref<10000x32xf32, #tpu.memory_space<vmem_shared>>) offsets(%arg8 : memref<128xi32, #tpu.memory_space<vmem>>) semaphore(%run_scoped3A_516 : memref<!tpu.dma_semaphore, #tpu.memory_space<semaphore_mem>>) {add = true}
        %dma_wait3A_520 = arith.constant 0 : i32
        %dma_wait3A_521 = arith.constant 0 : i32
        %dma_wait3A_522 = tpu.memref_slice %arg15[%dma_wait3A_520, %dma_wait3A_521] : memref<10000x32xf32, #tpu.memory_space<vmem_shared>> -> memref<10000x32xf32, #tpu.memory_space<vmem_shared>>
        tpu.wait_indirect_dma semaphore(%run_scoped3A_516 : memref<!tpu.dma_semaphore, #tpu.memory_space<semaphore_mem>>) src(%arg13 : memref<128x32xf32, #tpu.memory_space<vmem>>) dst(%dma_wait3A_522 : memref<10000x32xf32, #tpu.memory_space<vmem_shared>>)
        tpu.yield
      }) : () -> ()
      %add3A_506 = arith.constant 160000 : i32
      %add3A_507 = arith.addi %add3A_506, %mul3A_486 : i32
      %mul3A_508 = arith.constant 256 : i32
      %mul3A_509 = arith.muli %add3A_507, %mul3A_508 : i32
      "tpu.region"() ({
        %run_scoped3A_516 = tpu.sem_alloc : memref<!tpu.dma_semaphore, #tpu.memory_space<semaphore_mem>>
        %dma_start3A_517 = tpu.memref_slice %arg4[%mul3A_509] : memref<81920000xf32, #tpu.memory_space<hbm>> -> memref<32768xf32, #tpu.memory_space<hbm>>
        %dma_start3A_518 = tpu.memref_slice %arg4[%mul3A_509] : memref<81920000xf32, #tpu.memory_space<hbm>> -> memref<32768xf32, #tpu.memory_space<hbm>>
        tpu.enqueue_dma source(%dma_start3A_518 : memref<32768xf32, #tpu.memory_space<hbm>>) target(%arg11 : memref<32768xf32, #tpu.memory_space<vmem>>) target_semaphore(%run_scoped3A_516 : memref<!tpu.dma_semaphore, #tpu.memory_space<semaphore_mem>>)
        %dma_wait3A_519 = tpu.memref_slice %arg4[%mul3A_509] : memref<81920000xf32, #tpu.memory_space<hbm>> -> memref<32768xf32, #tpu.memory_space<hbm>>
        %dma_wait3A_520 = tpu.memref_slice %arg4[%mul3A_509] : memref<81920000xf32, #tpu.memory_space<hbm>> -> memref<32768xf32, #tpu.memory_space<hbm>>
        tpu.wait_dma2 semaphore(%run_scoped3A_516 : memref<!tpu.dma_semaphore, #tpu.memory_space<semaphore_mem>>) src(%dma_wait3A_520 : memref<32768xf32, #tpu.memory_space<hbm>>) dst(%arg11 : memref<32768xf32, #tpu.memory_space<vmem>>)
        tpu.yield
      }) : () -> ()
      "tpu.region"() ({
        %run_scoped3A_516 = tpu.sem_alloc : memref<!tpu.dma_semaphore, #tpu.memory_space<semaphore_mem>>
        %dma_start3A_517 = tpu.memref_slice %arg5[%add3A_507] : memref<320000xf32, #tpu.memory_space<hbm>> -> memref<128xf32, #tpu.memory_space<hbm>>
        %dma_start3A_518 = tpu.memref_slice %arg5[%add3A_507] : memref<320000xf32, #tpu.memory_space<hbm>> -> memref<128xf32, #tpu.memory_space<hbm>>
        tpu.enqueue_dma source(%dma_start3A_518 : memref<128xf32, #tpu.memory_space<hbm>>) target(%arg12 : memref<128xf32, #tpu.memory_space<vmem>>) target_semaphore(%run_scoped3A_516 : memref<!tpu.dma_semaphore, #tpu.memory_space<semaphore_mem>>)
        %dma_wait3A_519 = tpu.memref_slice %arg5[%add3A_507] : memref<320000xf32, #tpu.memory_space<hbm>> -> memref<128xf32, #tpu.memory_space<hbm>>
        %dma_wait3A_520 = tpu.memref_slice %arg5[%add3A_507] : memref<320000xf32, #tpu.memory_space<hbm>> -> memref<128xf32, #tpu.memory_space<hbm>>
        tpu.wait_dma2 semaphore(%run_scoped3A_516 : memref<!tpu.dma_semaphore, #tpu.memory_space<semaphore_mem>>) src(%dma_wait3A_520 : memref<128xf32, #tpu.memory_space<hbm>>) dst(%arg12 : memref<128xf32, #tpu.memory_space<vmem>>)
        tpu.yield
      }) : () -> ()
      %scan3A_510 = arith.constant 0 : i32
      %scan3A_511 = arith.constant 0 : i32
      %scan3A_512 = arith.constant 128 : i32
      %scan3A_513 = arith.addi %scan3A_511, %scan3A_512 : i32
      %scan3A_514 = arith.constant 1 : i32
      scf.for %scan3A_516 = %scan3A_511 to %scan3A_513 step %scan3A_514  : i32 {
        %broadcast_in_dim3A_517 = vector.broadcast %scan3A_516 : i32 to vector<16xi32>
        %mul3A_518 = arith.constant 256 : i32
        %mul3A_519 = arith.muli %scan3A_516, %mul3A_518 : i32
        %broadcast_in_dim3A_520 = vector.broadcast %mul3A_519 : i32 to vector<16xi32>
        %get3A = arith.index_cast %scan3A_516 : i32 to index
        %get3A_521 = arith.constant 0 : index
        %get3A_522 = tpu.vector_load %arg10[%get3A, %get3A_521] {strides = array<i32>} : memref<128x16xf32, #tpu.memory_space<vmem>>, vector<16xf32>,
        %add3A_523 = arith.addi %add3A_434, %broadcast_in_dim3A_520 : vector<16xi32>
        %gather3A = tpu.vector_load_idx %arg11[%add3A_523] : memref<32768xf32, #tpu.memory_space<vmem>>[vector<16xi32>], vector<16xf32>,
        %broadcast_in_dim3A_524 = vector.shape_cast %select_n3A_58 : vector<16xi32> to vector<16x1xi32>
        %gather3A_525 = vector.shape_cast %broadcast_in_dim3A_524 : vector<16x1xi32> to vector<16xi32>
        %gather3A_526 = tpu.dynamic_gather %get3A_522[%gather3A_525] in [0] : vector<16xf32>, vector<16xi32> -> vector<16xf32>
        %mul3A_527 = arith.mulf %gather3A, %gather3A_526 : vector<16xf32>
        %add3A_528 = arith.addf %broadcast_in_dim3A_1, %mul3A_527 : vector<16xf32>
        %add3A_529 = arith.addi %add3A_435, %broadcast_in_dim3A_520 : vector<16xi32>
        %gather3A_530 = tpu.vector_load_idx %arg11[%add3A_529] : memref<32768xf32, #tpu.memory_space<vmem>>[vector<16xi32>], vector<16xf32>,
        %broadcast_in_dim3A_531 = vector.shape_cast %select_n3A_83 : vector<16xi32> to vector<16x1xi32>
        %gather3A_532 = vector.shape_cast %broadcast_in_dim3A_531 : vector<16x1xi32> to vector<16xi32>
        %gather3A_533 = tpu.dynamic_gather %get3A_522[%gather3A_532] in [0] : vector<16xf32>, vector<16xi32> -> vector<16xf32>
        %mul3A_534 = arith.mulf %gather3A_530, %gather3A_533 : vector<16xf32>
        %add3A_535 = arith.addf %broadcast_in_dim3A_1, %mul3A_534 : vector<16xf32>
        %add3A_536 = arith.addi %add3A_436, %broadcast_in_dim3A_520 : vector<16xi32>
        %gather3A_537 = tpu.vector_load_idx %arg11[%add3A_536] : memref<32768xf32, #tpu.memory_space<vmem>>[vector<16xi32>], vector<16xf32>,
        %broadcast_in_dim3A_538 = vector.shape_cast %select_n3A_108 : vector<16xi32> to vector<16x1xi32>
        %gather3A_539 = vector.shape_cast %broadcast_in_dim3A_538 : vector<16x1xi32> to vector<16xi32>
        %gather3A_540 = tpu.dynamic_gather %get3A_522[%gather3A_539] in [0] : vector<16xf32>, vector<16xi32> -> vector<16xf32>
        %mul3A_541 = arith.mulf %gather3A_537, %gather3A_540 : vector<16xf32>
        %add3A_542 = arith.addf %broadcast_in_dim3A_1, %mul3A_541 : vector<16xf32>
        %add3A_543 = arith.addi %add3A_437, %broadcast_in_dim3A_520 : vector<16xi32>
        %gather3A_544 = tpu.vector_load_idx %arg11[%add3A_543] : memref<32768xf32, #tpu.memory_space<vmem>>[vector<16xi32>], vector<16xf32>,
        %broadcast_in_dim3A_545 = vector.shape_cast %select_n3A_133 : vector<16xi32> to vector<16x1xi32>
        %gather3A_546 = vector.shape_cast %broadcast_in_dim3A_545 : vector<16x1xi32> to vector<16xi32>
        %gather3A_547 = tpu.dynamic_gather %get3A_522[%gather3A_546] in [0] : vector<16xf32>, vector<16xi32> -> vector<16xf32>
        %mul3A_548 = arith.mulf %gather3A_544, %gather3A_547 : vector<16xf32>
        %add3A_549 = arith.addf %broadcast_in_dim3A_1, %mul3A_548 : vector<16xf32>
        %add3A_550 = arith.addi %add3A_438, %broadcast_in_dim3A_520 : vector<16xi32>
        %gather3A_551 = tpu.vector_load_idx %arg11[%add3A_550] : memref<32768xf32, #tpu.memory_space<vmem>>[vector<16xi32>], vector<16xf32>,
        %broadcast_in_dim3A_552 = vector.shape_cast %select_n3A_158 : vector<16xi32> to vector<16x1xi32>
        %gather3A_553 = vector.shape_cast %broadcast_in_dim3A_552 : vector<16x1xi32> to vector<16xi32>
        %gather3A_554 = tpu.dynamic_gather %get3A_522[%gather3A_553] in [0] : vector<16xf32>, vector<16xi32> -> vector<16xf32>
        %mul3A_555 = arith.mulf %gather3A_551, %gather3A_554 : vector<16xf32>
        %add3A_556 = arith.addf %add3A_528, %mul3A_555 : vector<16xf32>
        %add3A_557 = arith.addi %add3A_439, %broadcast_in_dim3A_520 : vector<16xi32>
        %gather3A_558 = tpu.vector_load_idx %arg11[%add3A_557] : memref<32768xf32, #tpu.memory_space<vmem>>[vector<16xi32>], vector<16xf32>,
        %broadcast_in_dim3A_559 = vector.shape_cast %select_n3A_183 : vector<16xi32> to vector<16x1xi32>
        %gather3A_560 = vector.shape_cast %broadcast_in_dim3A_559 : vector<16x1xi32> to vector<16xi32>
        %gather3A_561 = tpu.dynamic_gather %get3A_522[%gather3A_560] in [0] : vector<16xf32>, vector<16xi32> -> vector<16xf32>
        %mul3A_562 = arith.mulf %gather3A_558, %gather3A_561 : vector<16xf32>
        %add3A_563 = arith.addf %add3A_535, %mul3A_562 : vector<16xf32>
        %add3A_564 = arith.addi %add3A_440, %broadcast_in_dim3A_520 : vector<16xi32>
        %gather3A_565 = tpu.vector_load_idx %arg11[%add3A_564] : memref<32768xf32, #tpu.memory_space<vmem>>[vector<16xi32>], vector<16xf32>,
        %broadcast_in_dim3A_566 = vector.shape_cast %select_n3A_208 : vector<16xi32> to vector<16x1xi32>
        %gather3A_567 = vector.shape_cast %broadcast_in_dim3A_566 : vector<16x1xi32> to vector<16xi32>
        %gather3A_568 = tpu.dynamic_gather %get3A_522[%gather3A_567] in [0] : vector<16xf32>, vector<16xi32> -> vector<16xf32>
        %mul3A_569 = arith.mulf %gather3A_565, %gather3A_568 : vector<16xf32>
        %add3A_570 = arith.addf %add3A_542, %mul3A_569 : vector<16xf32>
        %add3A_571 = arith.addi %add3A_441, %broadcast_in_dim3A_520 : vector<16xi32>
        %gather3A_572 = tpu.vector_load_idx %arg11[%add3A_571] : memref<32768xf32, #tpu.memory_space<vmem>>[vector<16xi32>], vector<16xf32>,
        %broadcast_in_dim3A_573 = vector.shape_cast %select_n3A_233 : vector<16xi32> to vector<16x1xi32>
        %gather3A_574 = vector.shape_cast %broadcast_in_dim3A_573 : vector<16x1xi32> to vector<16xi32>
        %gather3A_575 = tpu.dynamic_gather %get3A_522[%gather3A_574] in [0] : vector<16xf32>, vector<16xi32> -> vector<16xf32>
        %mul3A_576 = arith.mulf %gather3A_572, %gather3A_575 : vector<16xf32>
        %add3A_577 = arith.addf %add3A_549, %mul3A_576 : vector<16xf32>
        %add3A_578 = arith.addi %add3A_442, %broadcast_in_dim3A_520 : vector<16xi32>
        %gather3A_579 = tpu.vector_load_idx %arg11[%add3A_578] : memref<32768xf32, #tpu.memory_space<vmem>>[vector<16xi32>], vector<16xf32>,
        %broadcast_in_dim3A_580 = vector.shape_cast %select_n3A_258 : vector<16xi32> to vector<16x1xi32>
        %gather3A_581 = vector.shape_cast %broadcast_in_dim3A_580 : vector<16x1xi32> to vector<16xi32>
        %gather3A_582 = tpu.dynamic_gather %get3A_522[%gather3A_581] in [0] : vector<16xf32>, vector<16xi32> -> vector<16xf32>
        %mul3A_583 = arith.mulf %gather3A_579, %gather3A_582 : vector<16xf32>
        %add3A_584 = arith.addf %add3A_556, %mul3A_583 : vector<16xf32>
        %add3A_585 = arith.addi %add3A_443, %broadcast_in_dim3A_520 : vector<16xi32>
        %gather3A_586 = tpu.vector_load_idx %arg11[%add3A_585] : memref<32768xf32, #tpu.memory_space<vmem>>[vector<16xi32>], vector<16xf32>,
        %broadcast_in_dim3A_587 = vector.shape_cast %select_n3A_283 : vector<16xi32> to vector<16x1xi32>
        %gather3A_588 = vector.shape_cast %broadcast_in_dim3A_587 : vector<16x1xi32> to vector<16xi32>
        %gather3A_589 = tpu.dynamic_gather %get3A_522[%gather3A_588] in [0] : vector<16xf32>, vector<16xi32> -> vector<16xf32>
        %mul3A_590 = arith.mulf %gather3A_586, %gather3A_589 : vector<16xf32>
        %add3A_591 = arith.addf %add3A_563, %mul3A_590 : vector<16xf32>
        %add3A_592 = arith.addi %add3A_444, %broadcast_in_dim3A_520 : vector<16xi32>
        %gather3A_593 = tpu.vector_load_idx %arg11[%add3A_592] : memref<32768xf32, #tpu.memory_space<vmem>>[vector<16xi32>], vector<16xf32>,
        %broadcast_in_dim3A_594 = vector.shape_cast %select_n3A_308 : vector<16xi32> to vector<16x1xi32>
        %gather3A_595 = vector.shape_cast %broadcast_in_dim3A_594 : vector<16x1xi32> to vector<16xi32>
        %gather3A_596 = tpu.dynamic_gather %get3A_522[%gather3A_595] in [0] : vector<16xf32>, vector<16xi32> -> vector<16xf32>
        %mul3A_597 = arith.mulf %gather3A_593, %gather3A_596 : vector<16xf32>
        %add3A_598 = arith.addf %add3A_570, %mul3A_597 : vector<16xf32>
        %add3A_599 = arith.addi %add3A_445, %broadcast_in_dim3A_520 : vector<16xi32>
        %gather3A_600 = tpu.vector_load_idx %arg11[%add3A_599] : memref<32768xf32, #tpu.memory_space<vmem>>[vector<16xi32>], vector<16xf32>,
        %broadcast_in_dim3A_601 = vector.shape_cast %select_n3A_333 : vector<16xi32> to vector<16x1xi32>
        %gather3A_602 = vector.shape_cast %broadcast_in_dim3A_601 : vector<16x1xi32> to vector<16xi32>
        %gather3A_603 = tpu.dynamic_gather %get3A_522[%gather3A_602] in [0] : vector<16xf32>, vector<16xi32> -> vector<16xf32>
        %mul3A_604 = arith.mulf %gather3A_600, %gather3A_603 : vector<16xf32>
        %add3A_605 = arith.addf %add3A_577, %mul3A_604 : vector<16xf32>
        %add3A_606 = arith.addi %add3A_446, %broadcast_in_dim3A_520 : vector<16xi32>
        %gather3A_607 = tpu.vector_load_idx %arg11[%add3A_606] : memref<32768xf32, #tpu.memory_space<vmem>>[vector<16xi32>], vector<16xf32>,
        %broadcast_in_dim3A_608 = vector.shape_cast %select_n3A_358 : vector<16xi32> to vector<16x1xi32>
        %gather3A_609 = vector.shape_cast %broadcast_in_dim3A_608 : vector<16x1xi32> to vector<16xi32>
        %gather3A_610 = tpu.dynamic_gather %get3A_522[%gather3A_609] in [0] : vector<16xf32>, vector<16xi32> -> vector<16xf32>
        %mul3A_611 = arith.mulf %gather3A_607, %gather3A_610 : vector<16xf32>
        %add3A_612 = arith.addf %add3A_584, %mul3A_611 : vector<16xf32>
        %add3A_613 = arith.addi %add3A_447, %broadcast_in_dim3A_520 : vector<16xi32>
        %gather3A_614 = tpu.vector_load_idx %arg11[%add3A_613] : memref<32768xf32, #tpu.memory_space<vmem>>[vector<16xi32>], vector<16xf32>,
        %broadcast_in_dim3A_615 = vector.shape_cast %select_n3A_383 : vector<16xi32> to vector<16x1xi32>
        %gather3A_616 = vector.shape_cast %broadcast_in_dim3A_615 : vector<16x1xi32> to vector<16xi32>
        %gather3A_617 = tpu.dynamic_gather %get3A_522[%gather3A_616] in [0] : vector<16xf32>, vector<16xi32> -> vector<16xf32>
        %mul3A_618 = arith.mulf %gather3A_614, %gather3A_617 : vector<16xf32>
        %add3A_619 = arith.addf %add3A_591, %mul3A_618 : vector<16xf32>
        %add3A_620 = arith.addi %add3A_448, %broadcast_in_dim3A_520 : vector<16xi32>
        %gather3A_621 = tpu.vector_load_idx %arg11[%add3A_620] : memref<32768xf32, #tpu.memory_space<vmem>>[vector<16xi32>], vector<16xf32>,
        %broadcast_in_dim3A_622 = vector.shape_cast %select_n3A_408 : vector<16xi32> to vector<16x1xi32>
        %gather3A_623 = vector.shape_cast %broadcast_in_dim3A_622 : vector<16x1xi32> to vector<16xi32>
        %gather3A_624 = tpu.dynamic_gather %get3A_522[%gather3A_623] in [0] : vector<16xf32>, vector<16xi32> -> vector<16xf32>
        %mul3A_625 = arith.mulf %gather3A_621, %gather3A_624 : vector<16xf32>
        %add3A_626 = arith.addf %add3A_598, %mul3A_625 : vector<16xf32>
        %add3A_627 = arith.addi %add3A_449, %broadcast_in_dim3A_520 : vector<16xi32>
        %gather3A_628 = tpu.vector_load_idx %arg11[%add3A_627] : memref<32768xf32, #tpu.memory_space<vmem>>[vector<16xi32>], vector<16xf32>,
        %broadcast_in_dim3A_629 = vector.shape_cast %select_n3A_433 : vector<16xi32> to vector<16x1xi32>
        %gather3A_630 = vector.shape_cast %broadcast_in_dim3A_629 : vector<16x1xi32> to vector<16xi32>
        %gather3A_631 = tpu.dynamic_gather %get3A_522[%gather3A_630] in [0] : vector<16xf32>, vector<16xi32> -> vector<16xf32>
        %mul3A_632 = arith.mulf %gather3A_628, %gather3A_631 : vector<16xf32>
        %add3A_633 = arith.addf %add3A_605, %mul3A_632 : vector<16xf32>
        %add3A_634 = arith.addf %add3A_612, %add3A_619 : vector<16xf32>
        %add3A_635 = arith.addf %add3A_626, %add3A_633 : vector<16xf32>
        %add3A_636 = arith.addf %add3A_634, %add3A_635 : vector<16xf32>
        %get3A_637 = arith.index_cast %scan3A_516 : i32 to index
        %get3A_638 = arith.constant 0 : index
        %get3A_639 = tpu.vector_load %arg9[%get3A_637, %get3A_638] {strides = array<i32>} : memref<128x16xf32, #tpu.memory_space<vmem>>, vector<16xf32>,
        %sub3A = arith.subf %add3A_636, %get3A_639 : vector<16xf32>
        %gather3A_640 = tpu.vector_load_idx %arg12[%broadcast_in_dim3A_517] : memref<128xf32, #tpu.memory_space<vmem>>[vector<16xi32>], vector<16xf32>,
        %mul3A_641 = arith.mulf %gather3A_640, %sub3A : vector<16xf32>
        %swap3A = arith.index_cast %scan3A_516 : i32 to index
        %swap3A_642 = arith.constant 0 : index
        %swap3A_643 = tpu.vector_load %arg13[%swap3A, %swap3A_642] {strides = array<i32>} : memref<128x32xf32, #tpu.memory_space<vmem>>, vector<16xf32>,
        tpu.vector_store %arg13[%swap3A, %swap3A_642], %mul3A_641 {strides = array<i32>} : memref<128x32xf32, #tpu.memory_space<vmem>>, vector<16xf32>,
      }
      %scan3A_515 = arith.constant 128 : i32
      "tpu.region"() ({
        %run_scoped3A_516 = tpu.sem_alloc : memref<!tpu.dma_semaphore, #tpu.memory_space<semaphore_mem>>
        %dma_start3A_517 = arith.constant 0 : i32
        %dma_start3A_518 = arith.constant 0 : i32
        %dma_start3A_519 = tpu.memref_slice %arg15[%dma_start3A_517, %dma_start3A_518] : memref<10000x32xf32, #tpu.memory_space<vmem_shared>> -> memref<10000x32xf32, #tpu.memory_space<vmem_shared>>
        tpu.enqueue_indirect_dma source(%arg13 : memref<128x32xf32, #tpu.memory_space<vmem>>) target(%dma_start3A_519 : memref<10000x32xf32, #tpu.memory_space<vmem_shared>>) offsets(%arg7 : memref<128xi32, #tpu.memory_space<vmem>>) semaphore(%run_scoped3A_516 : memref<!tpu.dma_semaphore, #tpu.memory_space<semaphore_mem>>) {add = true}
        %dma_wait3A_520 = arith.constant 0 : i32
        %dma_wait3A_521 = arith.constant 0 : i32
        %dma_wait3A_522 = tpu.memref_slice %arg15[%dma_wait3A_520, %dma_wait3A_521] : memref<10000x32xf32, #tpu.memory_space<vmem_shared>> -> memref<10000x32xf32, #tpu.memory_space<vmem_shared>>
        tpu.wait_indirect_dma semaphore(%run_scoped3A_516 : memref<!tpu.dma_semaphore, #tpu.memory_space<semaphore_mem>>) src(%arg13 : memref<128x32xf32, #tpu.memory_space<vmem>>) dst(%dma_wait3A_522 : memref<10000x32xf32, #tpu.memory_space<vmem_shared>>)
        tpu.yield
      }) : () -> ()
    }
    %while3A_464 = arith.constant 1 : i32
    scf.for %while3A_481 = %while3A_462 to %while3A_458 step %while3A_464  : i32 {
      %mul3A_482 = arith.constant 32 : i32
      %mul3A_483 = arith.muli %while3A_481, %mul3A_482 : i32
      %add3A_484 = arith.addi %add3A, %mul3A_483 : i32
      %mul3A_485 = arith.constant 128 : i32
      %mul3A_486 = arith.muli %add3A_484, %mul3A_485 : i32
      %run_scoped3A = arith.constant 0 : i32
      "tpu.region"() ({
        %run_scoped3A_516 = tpu.sem_alloc : memref<!tpu.dma_semaphore, #tpu.memory_space<semaphore_mem>>
        %dma_start3A_517 = tpu.memref_slice %arg3[%run_scoped3A, %mul3A_486] : memref<2x160000xi32, #tpu.memory_space<hbm>> -> memref<1x128xi32, #tpu.memory_space<hbm>>
        %dma_start3A_518 = tpu.memref_squeeze %dma_start3A_517 : memref<1x128xi32, #tpu.memory_space<hbm>> -> memref<128xi32, #tpu.memory_space<hbm>>
        %dma_start3A_519 = tpu.memref_slice %arg3[%run_scoped3A, %mul3A_486] : memref<2x160000xi32, #tpu.memory_space<hbm>> -> memref<1x128xi32, #tpu.memory_space<hbm>>
        %dma_start3A_520 = tpu.memref_squeeze %dma_start3A_519 : memref<1x128xi32, #tpu.memory_space<hbm>> -> memref<128xi32, #tpu.memory_space<hbm>>
        tpu.enqueue_dma source(%dma_start3A_520 : memref<128xi32, #tpu.memory_space<hbm>>) target(%arg7 : memref<128xi32, #tpu.memory_space<vmem>>) target_semaphore(%run_scoped3A_516 : memref<!tpu.dma_semaphore, #tpu.memory_space<semaphore_mem>>)
        %dma_wait3A_521 = tpu.memref_slice %arg3[%run_scoped3A, %mul3A_486] : memref<2x160000xi32, #tpu.memory_space<hbm>> -> memref<1x128xi32, #tpu.memory_space<hbm>>
        %dma_wait3A_522 = tpu.memref_squeeze %dma_wait3A_521 : memref<1x128xi32, #tpu.memory_space<hbm>> -> memref<128xi32, #tpu.memory_space<hbm>>
        %dma_wait3A_523 = tpu.memref_slice %arg3[%run_scoped3A, %mul3A_486] : memref<2x160000xi32, #tpu.memory_space<hbm>> -> memref<1x128xi32, #tpu.memory_space<hbm>>
        %dma_wait3A_524 = tpu.memref_squeeze %dma_wait3A_523 : memref<1x128xi32, #tpu.memory_space<hbm>> -> memref<128xi32, #tpu.memory_space<hbm>>
        tpu.wait_dma2 semaphore(%run_scoped3A_516 : memref<!tpu.dma_semaphore, #tpu.memory_space<semaphore_mem>>) src(%dma_wait3A_524 : memref<128xi32, #tpu.memory_space<hbm>>) dst(%arg7 : memref<128xi32, #tpu.memory_space<vmem>>)
        tpu.yield
      }) : () -> ()
      %run_scoped3A_487 = arith.constant 1 : i32
      "tpu.region"() ({
        %run_scoped3A_516 = tpu.sem_alloc : memref<!tpu.dma_semaphore, #tpu.memory_space<semaphore_mem>>
        %dma_start3A_517 = tpu.memref_slice %arg3[%run_scoped3A_487, %mul3A_486] : memref<2x160000xi32, #tpu.memory_space<hbm>> -> memref<1x128xi32, #tpu.memory_space<hbm>>
        %dma_start3A_518 = tpu.memref_squeeze %dma_start3A_517 : memref<1x128xi32, #tpu.memory_space<hbm>> -> memref<128xi32, #tpu.memory_space<hbm>>
        %dma_start3A_519 = tpu.memref_slice %arg3[%run_scoped3A_487, %mul3A_486] : memref<2x160000xi32, #tpu.memory_space<hbm>> -> memref<1x128xi32, #tpu.memory_space<hbm>>
        %dma_start3A_520 = tpu.memref_squeeze %dma_start3A_519 : memref<1x128xi32, #tpu.memory_space<hbm>> -> memref<128xi32, #tpu.memory_space<hbm>>
        tpu.enqueue_dma source(%dma_start3A_520 : memref<128xi32, #tpu.memory_space<hbm>>) target(%arg8 : memref<128xi32, #tpu.memory_space<vmem>>) target_semaphore(%run_scoped3A_516 : memref<!tpu.dma_semaphore, #tpu.memory_space<semaphore_mem>>)
        %dma_wait3A_521 = tpu.memref_slice %arg3[%run_scoped3A_487, %mul3A_486] : memref<2x160000xi32, #tpu.memory_space<hbm>> -> memref<1x128xi32, #tpu.memory_space<hbm>>
        %dma_wait3A_522 = tpu.memref_squeeze %dma_wait3A_521 : memref<1x128xi32, #tpu.memory_space<hbm>> -> memref<128xi32, #tpu.memory_space<hbm>>
        %dma_wait3A_523 = tpu.memref_slice %arg3[%run_scoped3A_487, %mul3A_486] : memref<2x160000xi32, #tpu.memory_space<hbm>> -> memref<1x128xi32, #tpu.memory_space<hbm>>
        %dma_wait3A_524 = tpu.memref_squeeze %dma_wait3A_523 : memref<1x128xi32, #tpu.memory_space<hbm>> -> memref<128xi32, #tpu.memory_space<hbm>>
        tpu.wait_dma2 semaphore(%run_scoped3A_516 : memref<!tpu.dma_semaphore, #tpu.memory_space<semaphore_mem>>) src(%dma_wait3A_524 : memref<128xi32, #tpu.memory_space<hbm>>) dst(%arg8 : memref<128xi32, #tpu.memory_space<vmem>>)
        tpu.yield
      }) : () -> ()
      %dma_start3A = arith.constant 0 : i32
      %dma_start3A_488 = arith.constant 0 : i32
      %dma_start3A_489 = tpu.memref_slice %arg2[%dma_start3A, %dma_start3A_488] : memref<10000x16xf32, #tpu.memory_space<hbm>> -> memref<10000x16xf32, #tpu.memory_space<hbm>>
      tpu.enqueue_indirect_dma source(%dma_start3A_489 : memref<10000x16xf32, #tpu.memory_space<hbm>>) target(%arg9 : memref<128x16xf32, #tpu.memory_space<vmem>>) offsets(%arg7 : memref<128xi32, #tpu.memory_space<vmem>>) semaphore(%arg14 : memref<!tpu.dma_semaphore, #tpu.memory_space<semaphore_mem>>)
      %dma_wait3A = arith.constant 0 : i32
      %dma_wait3A_490 = arith.constant 0 : i32
      %dma_wait3A_491 = tpu.memref_slice %arg2[%dma_wait3A, %dma_wait3A_490] : memref<10000x16xf32, #tpu.memory_space<hbm>> -> memref<10000x16xf32, #tpu.memory_space<hbm>>
      tpu.wait_indirect_dma semaphore(%arg14 : memref<!tpu.dma_semaphore, #tpu.memory_space<semaphore_mem>>) src(%dma_wait3A_491 : memref<10000x16xf32, #tpu.memory_space<hbm>>) dst(%arg9 : memref<128x16xf32, #tpu.memory_space<vmem>>)
      %dma_start3A_492 = arith.constant 0 : i32
      %dma_start3A_493 = arith.constant 0 : i32
      %dma_start3A_494 = tpu.memref_slice %arg2[%dma_start3A_492, %dma_start3A_493] : memref<10000x16xf32, #tpu.memory_space<hbm>> -> memref<10000x16xf32, #tpu.memory_space<hbm>>
      tpu.enqueue_indirect_dma source(%dma_start3A_494 : memref<10000x16xf32, #tpu.memory_space<hbm>>) target(%arg10 : memref<128x16xf32, #tpu.memory_space<vmem>>) offsets(%arg8 : memref<128xi32, #tpu.memory_space<vmem>>) semaphore(%arg14 : memref<!tpu.dma_semaphore, #tpu.memory_space<semaphore_mem>>)
      %dma_wait3A_495 = arith.constant 0 : i32
      %dma_wait3A_496 = arith.constant 0 : i32
      %dma_wait3A_497 = tpu.memref_slice %arg2[%dma_wait3A_495, %dma_wait3A_496] : memref<10000x16xf32, #tpu.memory_space<hbm>> -> memref<10000x16xf32, #tpu.memory_space<hbm>>
      tpu.wait_indirect_dma semaphore(%arg14 : memref<!tpu.dma_semaphore, #tpu.memory_space<semaphore_mem>>) src(%dma_wait3A_497 : memref<10000x16xf32, #tpu.memory_space<hbm>>) dst(%arg10 : memref<128x16xf32, #tpu.memory_space<vmem>>)
      %mul3A_498 = arith.constant 256 : i32
      %mul3A_499 = arith.muli %mul3A_486, %mul3A_498 : i32
      "tpu.region"() ({
        %run_scoped3A_516 = tpu.sem_alloc : memref<!tpu.dma_semaphore, #tpu.memory_space<semaphore_mem>>
        %dma_start3A_517 = tpu.memref_slice %arg4[%mul3A_499] : memref<81920000xf32, #tpu.memory_space<hbm>> -> memref<32768xf32, #tpu.memory_space<hbm>>
        %dma_start3A_518 = tpu.memref_slice %arg4[%mul3A_499] : memref<81920000xf32, #tpu.memory_space<hbm>> -> memref<32768xf32, #tpu.memory_space<hbm>>
        tpu.enqueue_dma source(%dma_start3A_518 : memref<32768xf32, #tpu.memory_space<hbm>>) target(%arg11 : memref<32768xf32, #tpu.memory_space<vmem>>) target_semaphore(%run_scoped3A_516 : memref<!tpu.dma_semaphore, #tpu.memory_space<semaphore_mem>>)
        %dma_wait3A_519 = tpu.memref_slice %arg4[%mul3A_499] : memref<81920000xf32, #tpu.memory_space<hbm>> -> memref<32768xf32, #tpu.memory_space<hbm>>
        %dma_wait3A_520 = tpu.memref_slice %arg4[%mul3A_499] : memref<81920000xf32, #tpu.memory_space<hbm>> -> memref<32768xf32, #tpu.memory_space<hbm>>
        tpu.wait_dma2 semaphore(%run_scoped3A_516 : memref<!tpu.dma_semaphore, #tpu.memory_space<semaphore_mem>>) src(%dma_wait3A_520 : memref<32768xf32, #tpu.memory_space<hbm>>) dst(%arg11 : memref<32768xf32, #tpu.memory_space<vmem>>)
        tpu.yield
      }) : () -> ()
      "tpu.region"() ({
        %run_scoped3A_516 = tpu.sem_alloc : memref<!tpu.dma_semaphore, #tpu.memory_space<semaphore_mem>>
        %dma_start3A_517 = tpu.memref_slice %arg5[%mul3A_486] : memref<320000xf32, #tpu.memory_space<hbm>> -> memref<128xf32, #tpu.memory_space<hbm>>
        %dma_start3A_518 = tpu.memref_slice %arg5[%mul3A_486] : memref<320000xf32, #tpu.memory_space<hbm>> -> memref<128xf32, #tpu.memory_space<hbm>>
        tpu.enqueue_dma source(%dma_start3A_518 : memref<128xf32, #tpu.memory_space<hbm>>) target(%arg12 : memref<128xf32, #tpu.memory_space<vmem>>) target_semaphore(%run_scoped3A_516 : memref<!tpu.dma_semaphore, #tpu.memory_space<semaphore_mem>>)
        %dma_wait3A_519 = tpu.memref_slice %arg5[%mul3A_486] : memref<320000xf32, #tpu.memory_space<hbm>> -> memref<128xf32, #tpu.memory_space<hbm>>
        %dma_wait3A_520 = tpu.memref_slice %arg5[%mul3A_486] : memref<320000xf32, #tpu.memory_space<hbm>> -> memref<128xf32, #tpu.memory_space<hbm>>
        tpu.wait_dma2 semaphore(%run_scoped3A_516 : memref<!tpu.dma_semaphore, #tpu.memory_space<semaphore_mem>>) src(%dma_wait3A_520 : memref<128xf32, #tpu.memory_space<hbm>>) dst(%arg12 : memref<128xf32, #tpu.memory_space<vmem>>)
        tpu.yield
      }) : () -> ()
      %scan3A_500 = arith.constant 0 : i32
      %scan3A_501 = arith.constant 0 : i32
      %scan3A_502 = arith.constant 128 : i32
      %scan3A_503 = arith.addi %scan3A_501, %scan3A_502 : i32
      %scan3A_504 = arith.constant 1 : i32
      scf.for %scan3A_516 = %scan3A_501 to %scan3A_503 step %scan3A_504  : i32 {
        %broadcast_in_dim3A_517 = vector.broadcast %scan3A_516 : i32 to vector<16xi32>
        %mul3A_518 = arith.constant 256 : i32
        %mul3A_519 = arith.muli %scan3A_516, %mul3A_518 : i32
        %broadcast_in_dim3A_520 = vector.broadcast %mul3A_519 : i32 to vector<16xi32>
        %get3A = arith.index_cast %scan3A_516 : i32 to index
        %get3A_521 = arith.constant 0 : index
        %get3A_522 = tpu.vector_load %arg9[%get3A, %get3A_521] {strides = array<i32>} : memref<128x16xf32, #tpu.memory_space<vmem>>, vector<16xf32>,
        %add3A_523 = arith.addi %add3A_434, %broadcast_in_dim3A_520 : vector<16xi32>
        %gather3A = tpu.vector_load_idx %arg11[%add3A_523] : memref<32768xf32, #tpu.memory_space<vmem>>[vector<16xi32>], vector<16xf32>,
        %broadcast_in_dim3A_524 = vector.shape_cast %select_n3A_58 : vector<16xi32> to vector<16x1xi32>
        %gather3A_525 = vector.shape_cast %broadcast_in_dim3A_524 : vector<16x1xi32> to vector<16xi32>
        %gather3A_526 = tpu.dynamic_gather %get3A_522[%gather3A_525] in [0] : vector<16xf32>, vector<16xi32> -> vector<16xf32>
        %mul3A_527 = arith.mulf %gather3A, %gather3A_526 : vector<16xf32>
        %add3A_528 = arith.addf %broadcast_in_dim3A_1, %mul3A_527 : vector<16xf32>
        %add3A_529 = arith.addi %add3A_435, %broadcast_in_dim3A_520 : vector<16xi32>
        %gather3A_530 = tpu.vector_load_idx %arg11[%add3A_529] : memref<32768xf32, #tpu.memory_space<vmem>>[vector<16xi32>], vector<16xf32>,
        %broadcast_in_dim3A_531 = vector.shape_cast %select_n3A_83 : vector<16xi32> to vector<16x1xi32>
        %gather3A_532 = vector.shape_cast %broadcast_in_dim3A_531 : vector<16x1xi32> to vector<16xi32>
        %gather3A_533 = tpu.dynamic_gather %get3A_522[%gather3A_532] in [0] : vector<16xf32>, vector<16xi32> -> vector<16xf32>
        %mul3A_534 = arith.mulf %gather3A_530, %gather3A_533 : vector<16xf32>
        %add3A_535 = arith.addf %broadcast_in_dim3A_1, %mul3A_534 : vector<16xf32>
        %add3A_536 = arith.addi %add3A_436, %broadcast_in_dim3A_520 : vector<16xi32>
        %gather3A_537 = tpu.vector_load_idx %arg11[%add3A_536] : memref<32768xf32, #tpu.memory_space<vmem>>[vector<16xi32>], vector<16xf32>,
        %broadcast_in_dim3A_538 = vector.shape_cast %select_n3A_108 : vector<16xi32> to vector<16x1xi32>
        %gather3A_539 = vector.shape_cast %broadcast_in_dim3A_538 : vector<16x1xi32> to vector<16xi32>
        %gather3A_540 = tpu.dynamic_gather %get3A_522[%gather3A_539] in [0] : vector<16xf32>, vector<16xi32> -> vector<16xf32>
        %mul3A_541 = arith.mulf %gather3A_537, %gather3A_540 : vector<16xf32>
        %add3A_542 = arith.addf %broadcast_in_dim3A_1, %mul3A_541 : vector<16xf32>
        %add3A_543 = arith.addi %add3A_437, %broadcast_in_dim3A_520 : vector<16xi32>
        %gather3A_544 = tpu.vector_load_idx %arg11[%add3A_543] : memref<32768xf32, #tpu.memory_space<vmem>>[vector<16xi32>], vector<16xf32>,
        %broadcast_in_dim3A_545 = vector.shape_cast %select_n3A_133 : vector<16xi32> to vector<16x1xi32>
        %gather3A_546 = vector.shape_cast %broadcast_in_dim3A_545 : vector<16x1xi32> to vector<16xi32>
        %gather3A_547 = tpu.dynamic_gather %get3A_522[%gather3A_546] in [0] : vector<16xf32>, vector<16xi32> -> vector<16xf32>
        %mul3A_548 = arith.mulf %gather3A_544, %gather3A_547 : vector<16xf32>
        %add3A_549 = arith.addf %broadcast_in_dim3A_1, %mul3A_548 : vector<16xf32>
        %add3A_550 = arith.addi %add3A_438, %broadcast_in_dim3A_520 : vector<16xi32>
        %gather3A_551 = tpu.vector_load_idx %arg11[%add3A_550] : memref<32768xf32, #tpu.memory_space<vmem>>[vector<16xi32>], vector<16xf32>,
        %broadcast_in_dim3A_552 = vector.shape_cast %select_n3A_158 : vector<16xi32> to vector<16x1xi32>
        %gather3A_553 = vector.shape_cast %broadcast_in_dim3A_552 : vector<16x1xi32> to vector<16xi32>
        %gather3A_554 = tpu.dynamic_gather %get3A_522[%gather3A_553] in [0] : vector<16xf32>, vector<16xi32> -> vector<16xf32>
        %mul3A_555 = arith.mulf %gather3A_551, %gather3A_554 : vector<16xf32>
        %add3A_556 = arith.addf %add3A_528, %mul3A_555 : vector<16xf32>
        %add3A_557 = arith.addi %add3A_439, %broadcast_in_dim3A_520 : vector<16xi32>
        %gather3A_558 = tpu.vector_load_idx %arg11[%add3A_557] : memref<32768xf32, #tpu.memory_space<vmem>>[vector<16xi32>], vector<16xf32>,
        %broadcast_in_dim3A_559 = vector.shape_cast %select_n3A_183 : vector<16xi32> to vector<16x1xi32>
        %gather3A_560 = vector.shape_cast %broadcast_in_dim3A_559 : vector<16x1xi32> to vector<16xi32>
        %gather3A_561 = tpu.dynamic_gather %get3A_522[%gather3A_560] in [0] : vector<16xf32>, vector<16xi32> -> vector<16xf32>
        %mul3A_562 = arith.mulf %gather3A_558, %gather3A_561 : vector<16xf32>
        %add3A_563 = arith.addf %add3A_535, %mul3A_562 : vector<16xf32>
        %add3A_564 = arith.addi %add3A_440, %broadcast_in_dim3A_520 : vector<16xi32>
        %gather3A_565 = tpu.vector_load_idx %arg11[%add3A_564] : memref<32768xf32, #tpu.memory_space<vmem>>[vector<16xi32>], vector<16xf32>,
        %broadcast_in_dim3A_566 = vector.shape_cast %select_n3A_208 : vector<16xi32> to vector<16x1xi32>
        %gather3A_567 = vector.shape_cast %broadcast_in_dim3A_566 : vector<16x1xi32> to vector<16xi32>
        %gather3A_568 = tpu.dynamic_gather %get3A_522[%gather3A_567] in [0] : vector<16xf32>, vector<16xi32> -> vector<16xf32>
        %mul3A_569 = arith.mulf %gather3A_565, %gather3A_568 : vector<16xf32>
        %add3A_570 = arith.addf %add3A_542, %mul3A_569 : vector<16xf32>
        %add3A_571 = arith.addi %add3A_441, %broadcast_in_dim3A_520 : vector<16xi32>
        %gather3A_572 = tpu.vector_load_idx %arg11[%add3A_571] : memref<32768xf32, #tpu.memory_space<vmem>>[vector<16xi32>], vector<16xf32>,
        %broadcast_in_dim3A_573 = vector.shape_cast %select_n3A_233 : vector<16xi32> to vector<16x1xi32>
        %gather3A_574 = vector.shape_cast %broadcast_in_dim3A_573 : vector<16x1xi32> to vector<16xi32>
        %gather3A_575 = tpu.dynamic_gather %get3A_522[%gather3A_574] in [0] : vector<16xf32>, vector<16xi32> -> vector<16xf32>
        %mul3A_576 = arith.mulf %gather3A_572, %gather3A_575 : vector<16xf32>
        %add3A_577 = arith.addf %add3A_549, %mul3A_576 : vector<16xf32>
        %add3A_578 = arith.addi %add3A_442, %broadcast_in_dim3A_520 : vector<16xi32>
        %gather3A_579 = tpu.vector_load_idx %arg11[%add3A_578] : memref<32768xf32, #tpu.memory_space<vmem>>[vector<16xi32>], vector<16xf32>,
        %broadcast_in_dim3A_580 = vector.shape_cast %select_n3A_258 : vector<16xi32> to vector<16x1xi32>
        %gather3A_581 = vector.shape_cast %broadcast_in_dim3A_580 : vector<16x1xi32> to vector<16xi32>
        %gather3A_582 = tpu.dynamic_gather %get3A_522[%gather3A_581] in [0] : vector<16xf32>, vector<16xi32> -> vector<16xf32>
        %mul3A_583 = arith.mulf %gather3A_579, %gather3A_582 : vector<16xf32>
        %add3A_584 = arith.addf %add3A_556, %mul3A_583 : vector<16xf32>
        %add3A_585 = arith.addi %add3A_443, %broadcast_in_dim3A_520 : vector<16xi32>
        %gather3A_586 = tpu.vector_load_idx %arg11[%add3A_585] : memref<32768xf32, #tpu.memory_space<vmem>>[vector<16xi32>], vector<16xf32>,
        %broadcast_in_dim3A_587 = vector.shape_cast %select_n3A_283 : vector<16xi32> to vector<16x1xi32>
        %gather3A_588 = vector.shape_cast %broadcast_in_dim3A_587 : vector<16x1xi32> to vector<16xi32>
        %gather3A_589 = tpu.dynamic_gather %get3A_522[%gather3A_588] in [0] : vector<16xf32>, vector<16xi32> -> vector<16xf32>
        %mul3A_590 = arith.mulf %gather3A_586, %gather3A_589 : vector<16xf32>
        %add3A_591 = arith.addf %add3A_563, %mul3A_590 : vector<16xf32>
        %add3A_592 = arith.addi %add3A_444, %broadcast_in_dim3A_520 : vector<16xi32>
        %gather3A_593 = tpu.vector_load_idx %arg11[%add3A_592] : memref<32768xf32, #tpu.memory_space<vmem>>[vector<16xi32>], vector<16xf32>,
        %broadcast_in_dim3A_594 = vector.shape_cast %select_n3A_308 : vector<16xi32> to vector<16x1xi32>
        %gather3A_595 = vector.shape_cast %broadcast_in_dim3A_594 : vector<16x1xi32> to vector<16xi32>
        %gather3A_596 = tpu.dynamic_gather %get3A_522[%gather3A_595] in [0] : vector<16xf32>, vector<16xi32> -> vector<16xf32>
        %mul3A_597 = arith.mulf %gather3A_593, %gather3A_596 : vector<16xf32>
        %add3A_598 = arith.addf %add3A_570, %mul3A_597 : vector<16xf32>
        %add3A_599 = arith.addi %add3A_445, %broadcast_in_dim3A_520 : vector<16xi32>
        %gather3A_600 = tpu.vector_load_idx %arg11[%add3A_599] : memref<32768xf32, #tpu.memory_space<vmem>>[vector<16xi32>], vector<16xf32>,
        %broadcast_in_dim3A_601 = vector.shape_cast %select_n3A_333 : vector<16xi32> to vector<16x1xi32>
        %gather3A_602 = vector.shape_cast %broadcast_in_dim3A_601 : vector<16x1xi32> to vector<16xi32>
        %gather3A_603 = tpu.dynamic_gather %get3A_522[%gather3A_602] in [0] : vector<16xf32>, vector<16xi32> -> vector<16xf32>
        %mul3A_604 = arith.mulf %gather3A_600, %gather3A_603 : vector<16xf32>
        %add3A_605 = arith.addf %add3A_577, %mul3A_604 : vector<16xf32>
        %add3A_606 = arith.addi %add3A_446, %broadcast_in_dim3A_520 : vector<16xi32>
        %gather3A_607 = tpu.vector_load_idx %arg11[%add3A_606] : memref<32768xf32, #tpu.memory_space<vmem>>[vector<16xi32>], vector<16xf32>,
        %broadcast_in_dim3A_608 = vector.shape_cast %select_n3A_358 : vector<16xi32> to vector<16x1xi32>
        %gather3A_609 = vector.shape_cast %broadcast_in_dim3A_608 : vector<16x1xi32> to vector<16xi32>
        %gather3A_610 = tpu.dynamic_gather %get3A_522[%gather3A_609] in [0] : vector<16xf32>, vector<16xi32> -> vector<16xf32>
        %mul3A_611 = arith.mulf %gather3A_607, %gather3A_610 : vector<16xf32>
        %add3A_612 = arith.addf %add3A_584, %mul3A_611 : vector<16xf32>
        %add3A_613 = arith.addi %add3A_447, %broadcast_in_dim3A_520 : vector<16xi32>
        %gather3A_614 = tpu.vector_load_idx %arg11[%add3A_613] : memref<32768xf32, #tpu.memory_space<vmem>>[vector<16xi32>], vector<16xf32>,
        %broadcast_in_dim3A_615 = vector.shape_cast %select_n3A_383 : vector<16xi32> to vector<16x1xi32>
        %gather3A_616 = vector.shape_cast %broadcast_in_dim3A_615 : vector<16x1xi32> to vector<16xi32>
        %gather3A_617 = tpu.dynamic_gather %get3A_522[%gather3A_616] in [0] : vector<16xf32>, vector<16xi32> -> vector<16xf32>
        %mul3A_618 = arith.mulf %gather3A_614, %gather3A_617 : vector<16xf32>
        %add3A_619 = arith.addf %add3A_591, %mul3A_618 : vector<16xf32>
        %add3A_620 = arith.addi %add3A_448, %broadcast_in_dim3A_520 : vector<16xi32>
        %gather3A_621 = tpu.vector_load_idx %arg11[%add3A_620] : memref<32768xf32, #tpu.memory_space<vmem>>[vector<16xi32>], vector<16xf32>,
        %broadcast_in_dim3A_622 = vector.shape_cast %select_n3A_408 : vector<16xi32> to vector<16x1xi32>
        %gather3A_623 = vector.shape_cast %broadcast_in_dim3A_622 : vector<16x1xi32> to vector<16xi32>
        %gather3A_624 = tpu.dynamic_gather %get3A_522[%gather3A_623] in [0] : vector<16xf32>, vector<16xi32> -> vector<16xf32>
        %mul3A_625 = arith.mulf %gather3A_621, %gather3A_624 : vector<16xf32>
        %add3A_626 = arith.addf %add3A_598, %mul3A_625 : vector<16xf32>
        %add3A_627 = arith.addi %add3A_449, %broadcast_in_dim3A_520 : vector<16xi32>
        %gather3A_628 = tpu.vector_load_idx %arg11[%add3A_627] : memref<32768xf32, #tpu.memory_space<vmem>>[vector<16xi32>], vector<16xf32>,
        %broadcast_in_dim3A_629 = vector.shape_cast %select_n3A_433 : vector<16xi32> to vector<16x1xi32>
        %gather3A_630 = vector.shape_cast %broadcast_in_dim3A_629 : vector<16x1xi32> to vector<16xi32>
        %gather3A_631 = tpu.dynamic_gather %get3A_522[%gather3A_630] in [0] : vector<16xf32>, vector<16xi32> -> vector<16xf32>
        %mul3A_632 = arith.mulf %gather3A_628, %gather3A_631 : vector<16xf32>
        %add3A_633 = arith.addf %add3A_605, %mul3A_632 : vector<16xf32>
        %add3A_634 = arith.addf %add3A_612, %add3A_619 : vector<16xf32>
        %add3A_635 = arith.addf %add3A_626, %add3A_633 : vector<16xf32>
        %add3A_636 = arith.addf %add3A_634, %add3A_635 : vector<16xf32>
        %get3A_637 = arith.index_cast %scan3A_516 : i32 to index
        %get3A_638 = arith.constant 0 : index
        %get3A_639 = tpu.vector_load %arg10[%get3A_637, %get3A_638] {strides = array<i32>} : memref<128x16xf32, #tpu.memory_space<vmem>>, vector<16xf32>,
        %sub3A = arith.subf %add3A_636, %get3A_639 : vector<16xf32>
        %gather3A_640 = tpu.vector_load_idx %arg12[%broadcast_in_dim3A_517] : memref<128xf32, #tpu.memory_space<vmem>>[vector<16xi32>], vector<16xf32>,
        %mul3A_641 = arith.mulf %gather3A_640, %sub3A : vector<16xf32>
        %swap3A = arith.index_cast %scan3A_516 : i32 to index
        %swap3A_642 = arith.constant 0 : index
        %swap3A_643 = tpu.vector_load %arg13[%swap3A, %swap3A_642] {strides = array<i32>} : memref<128x32xf32, #tpu.memory_space<vmem>>, vector<16xf32>,
        tpu.vector_store %arg13[%swap3A, %swap3A_642], %mul3A_641 {strides = array<i32>} : memref<128x32xf32, #tpu.memory_space<vmem>>, vector<16xf32>,
      }
      %scan3A_505 = arith.constant 128 : i32
      "tpu.region"() ({
        %run_scoped3A_516 = tpu.sem_alloc : memref<!tpu.dma_semaphore, #tpu.memory_space<semaphore_mem>>
        %dma_start3A_517 = arith.constant 0 : i32
        %dma_start3A_518 = arith.constant 0 : i32
        %dma_start3A_519 = tpu.memref_slice %arg15[%dma_start3A_517, %dma_start3A_518] : memref<10000x32xf32, #tpu.memory_space<vmem_shared>> -> memref<10000x32xf32, #tpu.memory_space<vmem_shared>>
        tpu.enqueue_indirect_dma source(%arg13 : memref<128x32xf32, #tpu.memory_space<vmem>>) target(%dma_start3A_519 : memref<10000x32xf32, #tpu.memory_space<vmem_shared>>) offsets(%arg8 : memref<128xi32, #tpu.memory_space<vmem>>) semaphore(%run_scoped3A_516 : memref<!tpu.dma_semaphore, #tpu.memory_space<semaphore_mem>>) {add = true}
        %dma_wait3A_520 = arith.constant 0 : i32
        %dma_wait3A_521 = arith.constant 0 : i32
        %dma_wait3A_522 = tpu.memref_slice %arg15[%dma_wait3A_520, %dma_wait3A_521] : memref<10000x32xf32, #tpu.memory_space<vmem_shared>> -> memref<10000x32xf32, #tpu.memory_space<vmem_shared>>
        tpu.wait_indirect_dma semaphore(%run_scoped3A_516 : memref<!tpu.dma_semaphore, #tpu.memory_space<semaphore_mem>>) src(%arg13 : memref<128x32xf32, #tpu.memory_space<vmem>>) dst(%dma_wait3A_522 : memref<10000x32xf32, #tpu.memory_space<vmem_shared>>)
        tpu.yield
      }) : () -> ()
      %add3A_506 = arith.constant 160000 : i32
      %add3A_507 = arith.addi %add3A_506, %mul3A_486 : i32
      %mul3A_508 = arith.constant 256 : i32
      %mul3A_509 = arith.muli %add3A_507, %mul3A_508 : i32
      "tpu.region"() ({
        %run_scoped3A_516 = tpu.sem_alloc : memref<!tpu.dma_semaphore, #tpu.memory_space<semaphore_mem>>
        %dma_start3A_517 = tpu.memref_slice %arg4[%mul3A_509] : memref<81920000xf32, #tpu.memory_space<hbm>> -> memref<32768xf32, #tpu.memory_space<hbm>>
        %dma_start3A_518 = tpu.memref_slice %arg4[%mul3A_509] : memref<81920000xf32, #tpu.memory_space<hbm>> -> memref<32768xf32, #tpu.memory_space<hbm>>
        tpu.enqueue_dma source(%dma_start3A_518 : memref<32768xf32, #tpu.memory_space<hbm>>) target(%arg11 : memref<32768xf32, #tpu.memory_space<vmem>>) target_semaphore(%run_scoped3A_516 : memref<!tpu.dma_semaphore, #tpu.memory_space<semaphore_mem>>)
        %dma_wait3A_519 = tpu.memref_slice %arg4[%mul3A_509] : memref<81920000xf32, #tpu.memory_space<hbm>> -> memref<32768xf32, #tpu.memory_space<hbm>>
        %dma_wait3A_520 = tpu.memref_slice %arg4[%mul3A_509] : memref<81920000xf32, #tpu.memory_space<hbm>> -> memref<32768xf32, #tpu.memory_space<hbm>>
        tpu.wait_dma2 semaphore(%run_scoped3A_516 : memref<!tpu.dma_semaphore, #tpu.memory_space<semaphore_mem>>) src(%dma_wait3A_520 : memref<32768xf32, #tpu.memory_space<hbm>>) dst(%arg11 : memref<32768xf32, #tpu.memory_space<vmem>>)
        tpu.yield
      }) : () -> ()
      "tpu.region"() ({
        %run_scoped3A_516 = tpu.sem_alloc : memref<!tpu.dma_semaphore, #tpu.memory_space<semaphore_mem>>
        %dma_start3A_517 = tpu.memref_slice %arg5[%add3A_507] : memref<320000xf32, #tpu.memory_space<hbm>> -> memref<128xf32, #tpu.memory_space<hbm>>
        %dma_start3A_518 = tpu.memref_slice %arg5[%add3A_507] : memref<320000xf32, #tpu.memory_space<hbm>> -> memref<128xf32, #tpu.memory_space<hbm>>
        tpu.enqueue_dma source(%dma_start3A_518 : memref<128xf32, #tpu.memory_space<hbm>>) target(%arg12 : memref<128xf32, #tpu.memory_space<vmem>>) target_semaphore(%run_scoped3A_516 : memref<!tpu.dma_semaphore, #tpu.memory_space<semaphore_mem>>)
        %dma_wait3A_519 = tpu.memref_slice %arg5[%add3A_507] : memref<320000xf32, #tpu.memory_space<hbm>> -> memref<128xf32, #tpu.memory_space<hbm>>
        %dma_wait3A_520 = tpu.memref_slice %arg5[%add3A_507] : memref<320000xf32, #tpu.memory_space<hbm>> -> memref<128xf32, #tpu.memory_space<hbm>>
        tpu.wait_dma2 semaphore(%run_scoped3A_516 : memref<!tpu.dma_semaphore, #tpu.memory_space<semaphore_mem>>) src(%dma_wait3A_520 : memref<128xf32, #tpu.memory_space<hbm>>) dst(%arg12 : memref<128xf32, #tpu.memory_space<vmem>>)
        tpu.yield
      }) : () -> ()
      %scan3A_510 = arith.constant 0 : i32
      %scan3A_511 = arith.constant 0 : i32
      %scan3A_512 = arith.constant 128 : i32
      %scan3A_513 = arith.addi %scan3A_511, %scan3A_512 : i32
      %scan3A_514 = arith.constant 1 : i32
      scf.for %scan3A_516 = %scan3A_511 to %scan3A_513 step %scan3A_514  : i32 {
        %broadcast_in_dim3A_517 = vector.broadcast %scan3A_516 : i32 to vector<16xi32>
        %mul3A_518 = arith.constant 256 : i32
        %mul3A_519 = arith.muli %scan3A_516, %mul3A_518 : i32
        %broadcast_in_dim3A_520 = vector.broadcast %mul3A_519 : i32 to vector<16xi32>
        %get3A = arith.index_cast %scan3A_516 : i32 to index
        %get3A_521 = arith.constant 0 : index
        %get3A_522 = tpu.vector_load %arg10[%get3A, %get3A_521] {strides = array<i32>} : memref<128x16xf32, #tpu.memory_space<vmem>>, vector<16xf32>,
        %add3A_523 = arith.addi %add3A_434, %broadcast_in_dim3A_520 : vector<16xi32>
        %gather3A = tpu.vector_load_idx %arg11[%add3A_523] : memref<32768xf32, #tpu.memory_space<vmem>>[vector<16xi32>], vector<16xf32>,
        %broadcast_in_dim3A_524 = vector.shape_cast %select_n3A_58 : vector<16xi32> to vector<16x1xi32>
        %gather3A_525 = vector.shape_cast %broadcast_in_dim3A_524 : vector<16x1xi32> to vector<16xi32>
        %gather3A_526 = tpu.dynamic_gather %get3A_522[%gather3A_525] in [0] : vector<16xf32>, vector<16xi32> -> vector<16xf32>
        %mul3A_527 = arith.mulf %gather3A, %gather3A_526 : vector<16xf32>
        %add3A_528 = arith.addf %broadcast_in_dim3A_1, %mul3A_527 : vector<16xf32>
        %add3A_529 = arith.addi %add3A_435, %broadcast_in_dim3A_520 : vector<16xi32>
        %gather3A_530 = tpu.vector_load_idx %arg11[%add3A_529] : memref<32768xf32, #tpu.memory_space<vmem>>[vector<16xi32>], vector<16xf32>,
        %broadcast_in_dim3A_531 = vector.shape_cast %select_n3A_83 : vector<16xi32> to vector<16x1xi32>
        %gather3A_532 = vector.shape_cast %broadcast_in_dim3A_531 : vector<16x1xi32> to vector<16xi32>
        %gather3A_533 = tpu.dynamic_gather %get3A_522[%gather3A_532] in [0] : vector<16xf32>, vector<16xi32> -> vector<16xf32>
        %mul3A_534 = arith.mulf %gather3A_530, %gather3A_533 : vector<16xf32>
        %add3A_535 = arith.addf %broadcast_in_dim3A_1, %mul3A_534 : vector<16xf32>
        %add3A_536 = arith.addi %add3A_436, %broadcast_in_dim3A_520 : vector<16xi32>
        %gather3A_537 = tpu.vector_load_idx %arg11[%add3A_536] : memref<32768xf32, #tpu.memory_space<vmem>>[vector<16xi32>], vector<16xf32>,
        %broadcast_in_dim3A_538 = vector.shape_cast %select_n3A_108 : vector<16xi32> to vector<16x1xi32>
        %gather3A_539 = vector.shape_cast %broadcast_in_dim3A_538 : vector<16x1xi32> to vector<16xi32>
        %gather3A_540 = tpu.dynamic_gather %get3A_522[%gather3A_539] in [0] : vector<16xf32>, vector<16xi32> -> vector<16xf32>
        %mul3A_541 = arith.mulf %gather3A_537, %gather3A_540 : vector<16xf32>
        %add3A_542 = arith.addf %broadcast_in_dim3A_1, %mul3A_541 : vector<16xf32>
        %add3A_543 = arith.addi %add3A_437, %broadcast_in_dim3A_520 : vector<16xi32>
        %gather3A_544 = tpu.vector_load_idx %arg11[%add3A_543] : memref<32768xf32, #tpu.memory_space<vmem>>[vector<16xi32>], vector<16xf32>,
        %broadcast_in_dim3A_545 = vector.shape_cast %select_n3A_133 : vector<16xi32> to vector<16x1xi32>
        %gather3A_546 = vector.shape_cast %broadcast_in_dim3A_545 : vector<16x1xi32> to vector<16xi32>
        %gather3A_547 = tpu.dynamic_gather %get3A_522[%gather3A_546] in [0] : vector<16xf32>, vector<16xi32> -> vector<16xf32>
        %mul3A_548 = arith.mulf %gather3A_544, %gather3A_547 : vector<16xf32>
        %add3A_549 = arith.addf %broadcast_in_dim3A_1, %mul3A_548 : vector<16xf32>
        %add3A_550 = arith.addi %add3A_438, %broadcast_in_dim3A_520 : vector<16xi32>
        %gather3A_551 = tpu.vector_load_idx %arg11[%add3A_550] : memref<32768xf32, #tpu.memory_space<vmem>>[vector<16xi32>], vector<16xf32>,
        %broadcast_in_dim3A_552 = vector.shape_cast %select_n3A_158 : vector<16xi32> to vector<16x1xi32>
        %gather3A_553 = vector.shape_cast %broadcast_in_dim3A_552 : vector<16x1xi32> to vector<16xi32>
        %gather3A_554 = tpu.dynamic_gather %get3A_522[%gather3A_553] in [0] : vector<16xf32>, vector<16xi32> -> vector<16xf32>
        %mul3A_555 = arith.mulf %gather3A_551, %gather3A_554 : vector<16xf32>
        %add3A_556 = arith.addf %add3A_528, %mul3A_555 : vector<16xf32>
        %add3A_557 = arith.addi %add3A_439, %broadcast_in_dim3A_520 : vector<16xi32>
        %gather3A_558 = tpu.vector_load_idx %arg11[%add3A_557] : memref<32768xf32, #tpu.memory_space<vmem>>[vector<16xi32>], vector<16xf32>,
        %broadcast_in_dim3A_559 = vector.shape_cast %select_n3A_183 : vector<16xi32> to vector<16x1xi32>
        %gather3A_560 = vector.shape_cast %broadcast_in_dim3A_559 : vector<16x1xi32> to vector<16xi32>
        %gather3A_561 = tpu.dynamic_gather %get3A_522[%gather3A_560] in [0] : vector<16xf32>, vector<16xi32> -> vector<16xf32>
        %mul3A_562 = arith.mulf %gather3A_558, %gather3A_561 : vector<16xf32>
        %add3A_563 = arith.addf %add3A_535, %mul3A_562 : vector<16xf32>
        %add3A_564 = arith.addi %add3A_440, %broadcast_in_dim3A_520 : vector<16xi32>
        %gather3A_565 = tpu.vector_load_idx %arg11[%add3A_564] : memref<32768xf32, #tpu.memory_space<vmem>>[vector<16xi32>], vector<16xf32>,
        %broadcast_in_dim3A_566 = vector.shape_cast %select_n3A_208 : vector<16xi32> to vector<16x1xi32>
        %gather3A_567 = vector.shape_cast %broadcast_in_dim3A_566 : vector<16x1xi32> to vector<16xi32>
        %gather3A_568 = tpu.dynamic_gather %get3A_522[%gather3A_567] in [0] : vector<16xf32>, vector<16xi32> -> vector<16xf32>
        %mul3A_569 = arith.mulf %gather3A_565, %gather3A_568 : vector<16xf32>
        %add3A_570 = arith.addf %add3A_542, %mul3A_569 : vector<16xf32>
        %add3A_571 = arith.addi %add3A_441, %broadcast_in_dim3A_520 : vector<16xi32>
        %gather3A_572 = tpu.vector_load_idx %arg11[%add3A_571] : memref<32768xf32, #tpu.memory_space<vmem>>[vector<16xi32>], vector<16xf32>,
        %broadcast_in_dim3A_573 = vector.shape_cast %select_n3A_233 : vector<16xi32> to vector<16x1xi32>
        %gather3A_574 = vector.shape_cast %broadcast_in_dim3A_573 : vector<16x1xi32> to vector<16xi32>
        %gather3A_575 = tpu.dynamic_gather %get3A_522[%gather3A_574] in [0] : vector<16xf32>, vector<16xi32> -> vector<16xf32>
        %mul3A_576 = arith.mulf %gather3A_572, %gather3A_575 : vector<16xf32>
        %add3A_577 = arith.addf %add3A_549, %mul3A_576 : vector<16xf32>
        %add3A_578 = arith.addi %add3A_442, %broadcast_in_dim3A_520 : vector<16xi32>
        %gather3A_579 = tpu.vector_load_idx %arg11[%add3A_578] : memref<32768xf32, #tpu.memory_space<vmem>>[vector<16xi32>], vector<16xf32>,
        %broadcast_in_dim3A_580 = vector.shape_cast %select_n3A_258 : vector<16xi32> to vector<16x1xi32>
        %gather3A_581 = vector.shape_cast %broadcast_in_dim3A_580 : vector<16x1xi32> to vector<16xi32>
        %gather3A_582 = tpu.dynamic_gather %get3A_522[%gather3A_581] in [0] : vector<16xf32>, vector<16xi32> -> vector<16xf32>
        %mul3A_583 = arith.mulf %gather3A_579, %gather3A_582 : vector<16xf32>
        %add3A_584 = arith.addf %add3A_556, %mul3A_583 : vector<16xf32>
        %add3A_585 = arith.addi %add3A_443, %broadcast_in_dim3A_520 : vector<16xi32>
        %gather3A_586 = tpu.vector_load_idx %arg11[%add3A_585] : memref<32768xf32, #tpu.memory_space<vmem>>[vector<16xi32>], vector<16xf32>,
        %broadcast_in_dim3A_587 = vector.shape_cast %select_n3A_283 : vector<16xi32> to vector<16x1xi32>
        %gather3A_588 = vector.shape_cast %broadcast_in_dim3A_587 : vector<16x1xi32> to vector<16xi32>
        %gather3A_589 = tpu.dynamic_gather %get3A_522[%gather3A_588] in [0] : vector<16xf32>, vector<16xi32> -> vector<16xf32>
        %mul3A_590 = arith.mulf %gather3A_586, %gather3A_589 : vector<16xf32>
        %add3A_591 = arith.addf %add3A_563, %mul3A_590 : vector<16xf32>
        %add3A_592 = arith.addi %add3A_444, %broadcast_in_dim3A_520 : vector<16xi32>
        %gather3A_593 = tpu.vector_load_idx %arg11[%add3A_592] : memref<32768xf32, #tpu.memory_space<vmem>>[vector<16xi32>], vector<16xf32>,
        %broadcast_in_dim3A_594 = vector.shape_cast %select_n3A_308 : vector<16xi32> to vector<16x1xi32>
        %gather3A_595 = vector.shape_cast %broadcast_in_dim3A_594 : vector<16x1xi32> to vector<16xi32>
        %gather3A_596 = tpu.dynamic_gather %get3A_522[%gather3A_595] in [0] : vector<16xf32>, vector<16xi32> -> vector<16xf32>
        %mul3A_597 = arith.mulf %gather3A_593, %gather3A_596 : vector<16xf32>
        %add3A_598 = arith.addf %add3A_570, %mul3A_597 : vector<16xf32>
        %add3A_599 = arith.addi %add3A_445, %broadcast_in_dim3A_520 : vector<16xi32>
        %gather3A_600 = tpu.vector_load_idx %arg11[%add3A_599] : memref<32768xf32, #tpu.memory_space<vmem>>[vector<16xi32>], vector<16xf32>,
        %broadcast_in_dim3A_601 = vector.shape_cast %select_n3A_333 : vector<16xi32> to vector<16x1xi32>
        %gather3A_602 = vector.shape_cast %broadcast_in_dim3A_601 : vector<16x1xi32> to vector<16xi32>
        %gather3A_603 = tpu.dynamic_gather %get3A_522[%gather3A_602] in [0] : vector<16xf32>, vector<16xi32> -> vector<16xf32>
        %mul3A_604 = arith.mulf %gather3A_600, %gather3A_603 : vector<16xf32>
        %add3A_605 = arith.addf %add3A_577, %mul3A_604 : vector<16xf32>
        %add3A_606 = arith.addi %add3A_446, %broadcast_in_dim3A_520 : vector<16xi32>
        %gather3A_607 = tpu.vector_load_idx %arg11[%add3A_606] : memref<32768xf32, #tpu.memory_space<vmem>>[vector<16xi32>], vector<16xf32>,
        %broadcast_in_dim3A_608 = vector.shape_cast %select_n3A_358 : vector<16xi32> to vector<16x1xi32>
        %gather3A_609 = vector.shape_cast %broadcast_in_dim3A_608 : vector<16x1xi32> to vector<16xi32>
        %gather3A_610 = tpu.dynamic_gather %get3A_522[%gather3A_609] in [0] : vector<16xf32>, vector<16xi32> -> vector<16xf32>
        %mul3A_611 = arith.mulf %gather3A_607, %gather3A_610 : vector<16xf32>
        %add3A_612 = arith.addf %add3A_584, %mul3A_611 : vector<16xf32>
        %add3A_613 = arith.addi %add3A_447, %broadcast_in_dim3A_520 : vector<16xi32>
        %gather3A_614 = tpu.vector_load_idx %arg11[%add3A_613] : memref<32768xf32, #tpu.memory_space<vmem>>[vector<16xi32>], vector<16xf32>,
        %broadcast_in_dim3A_615 = vector.shape_cast %select_n3A_383 : vector<16xi32> to vector<16x1xi32>
        %gather3A_616 = vector.shape_cast %broadcast_in_dim3A_615 : vector<16x1xi32> to vector<16xi32>
        %gather3A_617 = tpu.dynamic_gather %get3A_522[%gather3A_616] in [0] : vector<16xf32>, vector<16xi32> -> vector<16xf32>
        %mul3A_618 = arith.mulf %gather3A_614, %gather3A_617 : vector<16xf32>
        %add3A_619 = arith.addf %add3A_591, %mul3A_618 : vector<16xf32>
        %add3A_620 = arith.addi %add3A_448, %broadcast_in_dim3A_520 : vector<16xi32>
        %gather3A_621 = tpu.vector_load_idx %arg11[%add3A_620] : memref<32768xf32, #tpu.memory_space<vmem>>[vector<16xi32>], vector<16xf32>,
        %broadcast_in_dim3A_622 = vector.shape_cast %select_n3A_408 : vector<16xi32> to vector<16x1xi32>
        %gather3A_623 = vector.shape_cast %broadcast_in_dim3A_622 : vector<16x1xi32> to vector<16xi32>
        %gather3A_624 = tpu.dynamic_gather %get3A_522[%gather3A_623] in [0] : vector<16xf32>, vector<16xi32> -> vector<16xf32>
        %mul3A_625 = arith.mulf %gather3A_621, %gather3A_624 : vector<16xf32>
        %add3A_626 = arith.addf %add3A_598, %mul3A_625 : vector<16xf32>
        %add3A_627 = arith.addi %add3A_449, %broadcast_in_dim3A_520 : vector<16xi32>
        %gather3A_628 = tpu.vector_load_idx %arg11[%add3A_627] : memref<32768xf32, #tpu.memory_space<vmem>>[vector<16xi32>], vector<16xf32>,
        %broadcast_in_dim3A_629 = vector.shape_cast %select_n3A_433 : vector<16xi32> to vector<16x1xi32>
        %gather3A_630 = vector.shape_cast %broadcast_in_dim3A_629 : vector<16x1xi32> to vector<16xi32>
        %gather3A_631 = tpu.dynamic_gather %get3A_522[%gather3A_630] in [0] : vector<16xf32>, vector<16xi32> -> vector<16xf32>
        %mul3A_632 = arith.mulf %gather3A_628, %gather3A_631 : vector<16xf32>
        %add3A_633 = arith.addf %add3A_605, %mul3A_632 : vector<16xf32>
        %add3A_634 = arith.addf %add3A_612, %add3A_619 : vector<16xf32>
        %add3A_635 = arith.addf %add3A_626, %add3A_633 : vector<16xf32>
        %add3A_636 = arith.addf %add3A_634, %add3A_635 : vector<16xf32>
        %get3A_637 = arith.index_cast %scan3A_516 : i32 to index
        %get3A_638 = arith.constant 0 : index
        %get3A_639 = tpu.vector_load %arg9[%get3A_637, %get3A_638] {strides = array<i32>} : memref<128x16xf32, #tpu.memory_space<vmem>>, vector<16xf32>,
        %sub3A = arith.subf %add3A_636, %get3A_639 : vector<16xf32>
        %gather3A_640 = tpu.vector_load_idx %arg12[%broadcast_in_dim3A_517] : memref<128xf32, #tpu.memory_space<vmem>>[vector<16xi32>], vector<16xf32>,
        %mul3A_641 = arith.mulf %gather3A_640, %sub3A : vector<16xf32>
        %swap3A = arith.index_cast %scan3A_516 : i32 to index
        %swap3A_642 = arith.constant 0 : index
        %swap3A_643 = tpu.vector_load %arg13[%swap3A, %swap3A_642] {strides = array<i32>} : memref<128x32xf32, #tpu.memory_space<vmem>>, vector<16xf32>,
        tpu.vector_store %arg13[%swap3A, %swap3A_642], %mul3A_641 {strides = array<i32>} : memref<128x32xf32, #tpu.memory_space<vmem>>, vector<16xf32>,
      }
      %scan3A_515 = arith.constant 128 : i32
      "tpu.region"() ({
        %run_scoped3A_516 = tpu.sem_alloc : memref<!tpu.dma_semaphore, #tpu.memory_space<semaphore_mem>>
        %dma_start3A_517 = arith.constant 0 : i32
        %dma_start3A_518 = arith.constant 0 : i32
        %dma_start3A_519 = tpu.memref_slice %arg15[%dma_start3A_517, %dma_start3A_518] : memref<10000x32xf32, #tpu.memory_space<vmem_shared>> -> memref<10000x32xf32, #tpu.memory_space<vmem_shared>>
        tpu.enqueue_indirect_dma source(%arg13 : memref<128x32xf32, #tpu.memory_space<vmem>>) target(%dma_start3A_519 : memref<10000x32xf32, #tpu.memory_space<vmem_shared>>) offsets(%arg7 : memref<128xi32, #tpu.memory_space<vmem>>) semaphore(%run_scoped3A_516 : memref<!tpu.dma_semaphore, #tpu.memory_space<semaphore_mem>>) {add = true}
        %dma_wait3A_520 = arith.constant 0 : i32
        %dma_wait3A_521 = arith.constant 0 : i32
        %dma_wait3A_522 = tpu.memref_slice %arg15[%dma_wait3A_520, %dma_wait3A_521] : memref<10000x32xf32, #tpu.memory_space<vmem_shared>> -> memref<10000x32xf32, #tpu.memory_space<vmem_shared>>
        tpu.wait_indirect_dma semaphore(%run_scoped3A_516 : memref<!tpu.dma_semaphore, #tpu.memory_space<semaphore_mem>>) src(%arg13 : memref<128x32xf32, #tpu.memory_space<vmem>>) dst(%dma_wait3A_522 : memref<10000x32xf32, #tpu.memory_space<vmem_shared>>)
        tpu.yield
      }) : () -> ()
    }
    %barrier3A_465 = arith.constant 0 : index
    tpu.barrier barrier_id(%barrier3A_465)
    %while3A_466 = arith.constant 0 : i32
    %while3A_467 = arith.constant 0 : i32
    %while3A_468 = arith.subi %select_n3A_15, %while3A_467 : i32
    %while3A_469 = arith.addi %while3A_467, %while3A_468 : i32
    %while3A_470 = arith.constant 1 : i32
    %while3A_471 = arith.divsi %while3A_468, %while3A_470 : i32
    %while3A_472 = arith.muli %while3A_471, %while3A_470 : i32
    %while3A_473 = arith.addi %while3A_467, %while3A_472 : i32
    %while3A_474 = arith.constant 1 : i32
    scf.for %while3A_481 = %while3A_467 to %while3A_473 step %while3A_474  : i32 {
      %mul3A_482 = arith.constant 16 : i32
      %mul3A_483 = arith.muli %mul3A_482, %while3A_481 : i32
      %add3A_484 = arith.addi %arg1, %mul3A_483 : i32
      %mul3A_485 = arith.constant 128 : i32
      %mul3A_486 = arith.muli %add3A_484, %mul3A_485 : i32
      "tpu.region"() ({
        %run_scoped3A = tpu.sem_alloc : memref<!tpu.dma_semaphore, #tpu.memory_space<semaphore_mem>>
        %dma_start3A = arith.constant 0 : i32
        %dma_start3A_487 = tpu.memref_slice %arg6[%arg0, %mul3A_486, %dma_start3A] : memref<2x10000x32xf32, #tpu.memory_space<hbm>> -> memref<1x128x32xf32, #tpu.memory_space<hbm>>
        %dma_start3A_488 = tpu.memref_squeeze %dma_start3A_487 : memref<1x128x32xf32, #tpu.memory_space<hbm>> -> memref<128x32xf32, #tpu.memory_space<hbm>>
        %dma_start3A_489 = arith.constant 0 : i32
        %dma_start3A_490 = tpu.memref_slice %arg15[%mul3A_486, %dma_start3A_489] : memref<10000x32xf32, #tpu.memory_space<vmem_shared>> -> memref<128x32xf32, #tpu.memory_space<vmem_shared>>
        tpu.enqueue_dma source(%dma_start3A_490 : memref<128x32xf32, #tpu.memory_space<vmem_shared>>) target(%dma_start3A_488 : memref<128x32xf32, #tpu.memory_space<hbm>>) target_semaphore(%run_scoped3A : memref<!tpu.dma_semaphore, #tpu.memory_space<semaphore_mem>>)
        %dma_wait3A = arith.constant 0 : i32
        %dma_wait3A_491 = tpu.memref_slice %arg6[%arg0, %mul3A_486, %dma_wait3A] : memref<2x10000x32xf32, #tpu.memory_space<hbm>> -> memref<1x128x32xf32, #tpu.memory_space<hbm>>
        %dma_wait3A_492 = tpu.memref_squeeze %dma_wait3A_491 : memref<1x128x32xf32, #tpu.memory_space<hbm>> -> memref<128x32xf32, #tpu.memory_space<hbm>>
        %dma_wait3A_493 = arith.constant 0 : i32
        %dma_wait3A_494 = tpu.memref_slice %arg15[%mul3A_486, %dma_wait3A_493] : memref<10000x32xf32, #tpu.memory_space<vmem_shared>> -> memref<128x32xf32, #tpu.memory_space<vmem_shared>>
        tpu.wait_dma2 semaphore(%run_scoped3A : memref<!tpu.dma_semaphore, #tpu.memory_space<semaphore_mem>>) src(%dma_wait3A_494 : memref<128x32xf32, #tpu.memory_space<vmem_shared>>) dst(%dma_wait3A_492 : memref<128x32xf32, #tpu.memory_space<hbm>>)
        tpu.yield
      }) : () -> ()
    }
    %while3A_475 = arith.constant 1 : i32
    scf.for %while3A_481 = %while3A_473 to %while3A_469 step %while3A_475  : i32 {
      %mul3A_482 = arith.constant 16 : i32
      %mul3A_483 = arith.muli %mul3A_482, %while3A_481 : i32
      %add3A_484 = arith.addi %arg1, %mul3A_483 : i32
      %mul3A_485 = arith.constant 128 : i32
      %mul3A_486 = arith.muli %add3A_484, %mul3A_485 : i32
      "tpu.region"() ({
        %run_scoped3A = tpu.sem_alloc : memref<!tpu.dma_semaphore, #tpu.memory_space<semaphore_mem>>
        %dma_start3A = arith.constant 0 : i32
        %dma_start3A_487 = tpu.memref_slice %arg6[%arg0, %mul3A_486, %dma_start3A] : memref<2x10000x32xf32, #tpu.memory_space<hbm>> -> memref<1x128x32xf32, #tpu.memory_space<hbm>>
        %dma_start3A_488 = tpu.memref_squeeze %dma_start3A_487 : memref<1x128x32xf32, #tpu.memory_space<hbm>> -> memref<128x32xf32, #tpu.memory_space<hbm>>
        %dma_start3A_489 = arith.constant 0 : i32
        %dma_start3A_490 = tpu.memref_slice %arg15[%mul3A_486, %dma_start3A_489] : memref<10000x32xf32, #tpu.memory_space<vmem_shared>> -> memref<128x32xf32, #tpu.memory_space<vmem_shared>>
        tpu.enqueue_dma source(%dma_start3A_490 : memref<128x32xf32, #tpu.memory_space<vmem_shared>>) target(%dma_start3A_488 : memref<128x32xf32, #tpu.memory_space<hbm>>) target_semaphore(%run_scoped3A : memref<!tpu.dma_semaphore, #tpu.memory_space<semaphore_mem>>)
        %dma_wait3A = arith.constant 0 : i32
        %dma_wait3A_491 = tpu.memref_slice %arg6[%arg0, %mul3A_486, %dma_wait3A] : memref<2x10000x32xf32, #tpu.memory_space<hbm>> -> memref<1x128x32xf32, #tpu.memory_space<hbm>>
        %dma_wait3A_492 = tpu.memref_squeeze %dma_wait3A_491 : memref<1x128x32xf32, #tpu.memory_space<hbm>> -> memref<128x32xf32, #tpu.memory_space<hbm>>
        %dma_wait3A_493 = arith.constant 0 : i32
        %dma_wait3A_494 = tpu.memref_slice %arg15[%mul3A_486, %dma_wait3A_493] : memref<10000x32xf32, #tpu.memory_space<vmem_shared>> -> memref<128x32xf32, #tpu.memory_space<vmem_shared>>
        tpu.wait_dma2 semaphore(%run_scoped3A : memref<!tpu.dma_semaphore, #tpu.memory_space<semaphore_mem>>) src(%dma_wait3A_494 : memref<128x32xf32, #tpu.memory_space<vmem_shared>>) dst(%dma_wait3A_492 : memref<128x32xf32, #tpu.memory_space<hbm>>)
        tpu.yield
      }) : () -> ()
    }
    %eq3A_476 = arith.constant 15 : i32
    %eq3A_477 = arith.cmpi eq, %arg1, %eq3A_476 : i32
    %convert_element_type3A_478 = arith.extui %eq3A_477 : i1 to i32
    %cond3A_479 = arith.constant 0 : i32
    %cond3A_480 = arith.cmpi ne, %convert_element_type3A_478, %cond3A_479 : i32
    scf.if %cond3A_480 {
      "tpu.region"() ({
        %run_scoped3A = tpu.sem_alloc : memref<!tpu.dma_semaphore, #tpu.memory_space<semaphore_mem>>
        %dma_start3A = arith.constant 9984 : i32
        %dma_start3A_481 = arith.constant 0 : i32
        %dma_start3A_482 = tpu.memref_slice %arg6[%arg0, %dma_start3A, %dma_start3A_481] : memref<2x10000x32xf32, #tpu.memory_space<hbm>> -> memref<1x16x32xf32, #tpu.memory_space<hbm>>
        %dma_start3A_483 = tpu.memref_squeeze %dma_start3A_482 : memref<1x16x32xf32, #tpu.memory_space<hbm>> -> memref<16x32xf32, #tpu.memory_space<hbm>>
        %dma_start3A_484 = arith.constant 9984 : i32
        %dma_start3A_485 = arith.constant 0 : i32
        %dma_start3A_486 = tpu.memref_slice %arg15[%dma_start3A_484, %dma_start3A_485] : memref<10000x32xf32, #tpu.memory_space<vmem_shared>> -> memref<16x32xf32, #tpu.memory_space<vmem_shared>>
        tpu.enqueue_dma source(%dma_start3A_486 : memref<16x32xf32, #tpu.memory_space<vmem_shared>>) target(%dma_start3A_483 : memref<16x32xf32, #tpu.memory_space<hbm>>) target_semaphore(%run_scoped3A : memref<!tpu.dma_semaphore, #tpu.memory_space<semaphore_mem>>)
        %dma_wait3A = arith.constant 9984 : i32
        %dma_wait3A_487 = arith.constant 0 : i32
        %dma_wait3A_488 = tpu.memref_slice %arg6[%arg0, %dma_wait3A, %dma_wait3A_487] : memref<2x10000x32xf32, #tpu.memory_space<hbm>> -> memref<1x16x32xf32, #tpu.memory_space<hbm>>
        %dma_wait3A_489 = tpu.memref_squeeze %dma_wait3A_488 : memref<1x16x32xf32, #tpu.memory_space<hbm>> -> memref<16x32xf32, #tpu.memory_space<hbm>>
        %dma_wait3A_490 = arith.constant 9984 : i32
        %dma_wait3A_491 = arith.constant 0 : i32
        %dma_wait3A_492 = tpu.memref_slice %arg15[%dma_wait3A_490, %dma_wait3A_491] : memref<10000x32xf32, #tpu.memory_space<vmem_shared>> -> memref<16x32xf32, #tpu.memory_space<vmem_shared>>
        tpu.wait_dma2 semaphore(%run_scoped3A : memref<!tpu.dma_semaphore, #tpu.memory_space<semaphore_mem>>) src(%dma_wait3A_492 : memref<16x32xf32, #tpu.memory_space<vmem_shared>>) dst(%dma_wait3A_489 : memref<16x32xf32, #tpu.memory_space<hbm>>)
        tpu.yield
      }) : () -> ()
    } else {
    }
    return
  }
}

module attributes {stable_mosaic.version = 14 : i64} {
  func.func @_proj_body(%arg0: i32, %arg1: memref<1000x128xf32, #tpu.memory_space<vmem>>, %arg2: memref<128x16xf32, #tpu.memory_space<vmem>>, %arg3: memref<1x16xf32, #tpu.memory_space<vmem>>, %arg4: memref<1000x16xf32, #tpu.memory_space<vmem>>) attributes {dimension_semantics = [#tpu.dimension_semantics<arbitrary>], iteration_bounds = array<i64: 10>, scalar_prefetch = 0 : i64, scratch_operands = 0 : i64, tpu.core_type = #tpu.core_type<tc>, window_params = [{transform_indices = @transform_0, window_bounds = array<i64: 1000, 128>}, {pipeline_mode = #tpu.pipeline_mode<synchronous>, transform_indices = @transform_1, window_bounds = array<i64: 128, 16>}, {pipeline_mode = #tpu.pipeline_mode<synchronous>, transform_indices = @transform_2, window_bounds = array<i64: 1, 16>}, {transform_indices = @transform_3, window_bounds = array<i64: 1000, 16>}]} {
    %get3A = arith.constant 0 : index
    %get3A_0 = arith.constant 0 : index
    %get3A_1 = vector.load %arg1[%get3A, %get3A_0] : memref<1000x128xf32, #tpu.memory_space<vmem>>, vector<1000x128xf32>
    %get3A_2 = arith.constant 0 : index
    %get3A_3 = arith.constant 0 : index
    %get3A_4 = vector.load %arg2[%get3A_2, %get3A_3] : memref<128x16xf32, #tpu.memory_space<vmem>>, vector<128x16xf32>
    %dot_general3A = arith.constant dense<0.000000e+00> : vector<1000x16xf32>
    %dot_general3A_5 = tpu.matmul %get3A_1, %get3A_4, %dot_general3A {dimension_numbers = #tpu.dot_dimension_numbers<[1], [0], [0], [1], [0, 0, 1, 1], [], []>, transpose_lhs_hint = false} : vector<1000x128xf32>, vector<128x16xf32>, vector<1000x16xf32> -> vector<1000x16xf32>
    %get3A_6 = arith.constant 0 : index
    %get3A_7 = arith.constant 0 : index
    %get3A_8 = vector.load %arg3[%get3A_6, %get3A_7] : memref<1x16xf32, #tpu.memory_space<vmem>>, vector<1x16xf32>
    %add3A = vector.broadcast %get3A_8 : vector<1x16xf32> to vector<1000x16xf32>
    %add3A_9 = arith.addf %dot_general3A_5, %add3A : vector<1000x16xf32>
    %max3A = arith.constant 0.000000e+00 : f32
    %max3A_10 = vector.broadcast %max3A : f32 to vector<1000x16xf32>
    %max3A_11 = arith.maximumf %add3A_9, %max3A_10 : vector<1000x16xf32>
    %swap3A = arith.constant 0 : index
    %swap3A_12 = arith.constant 0 : index
    %swap3A_13 = vector.load %arg4[%swap3A, %swap3A_12] : memref<1000x16xf32, #tpu.memory_space<vmem>>, vector<1000x16xf32>
    tpu.vector_store %arg4[%swap3A, %swap3A_12], %max3A_11 {strides = array<i32>} : memref<1000x16xf32, #tpu.memory_space<vmem>>, vector<1000x16xf32>,
    return
  }
  func.func @transform_0(%arg0: i32) -> (i32, i32) {
    %c0_i32 = arith.constant 0 : i32
    %c0_i32_0 = arith.constant 0 : i32
    return %arg0, %c0_i32 : i32, i32
  }
  func.func @transform_1(%arg0: i32) -> (i32, i32) {
    %c0_i32 = arith.constant 0 : i32
    %c0_i32_0 = arith.constant 0 : i32
    %c0_i32_1 = arith.constant 0 : i32
    return %c0_i32, %c0_i32_0 : i32, i32
  }
  func.func @transform_2(%arg0: i32) -> (i32, i32) {
    %c0_i32 = arith.constant 0 : i32
    %c0_i32_0 = arith.constant 0 : i32
    %c0_i32_1 = arith.constant 0 : i32
    return %c0_i32, %c0_i32_0 : i32, i32
  }
  func.func @transform_3(%arg0: i32) -> (i32, i32) {
    %c0_i32 = arith.constant 0 : i32
    %c0_i32_0 = arith.constant 0 : i32
    return %arg0, %c0_i32 : i32, i32
  }
}

module attributes {stable_mosaic.version = 14 : i64} {
  func.func @_softplus_body(%arg0: memref<2500x128xf32, #tpu.memory_space<vmem>>, %arg1: memref<1x1xf32, #tpu.memory_space<vmem>>, %arg2: memref<2500x128xf32, #tpu.memory_space<vmem>>) attributes {dimension_semantics = [], scalar_prefetch = 0 : i64, scratch_operands = 0 : i64, tpu.core_type = #tpu.core_type<tc>} {
    %get3A = arith.constant 0 : index
    %get3A_0 = arith.constant 0 : index
    %get3A_1 = vector.load %arg0[%get3A, %get3A_0] : memref<2500x128xf32, #tpu.memory_space<vmem>>, vector<2500x128xf32>
    %max3A = arith.constant 0.000000e+00 : f32
    %max3A_2 = vector.broadcast %max3A : f32 to vector<2500x128xf32>
    %max3A_3 = arith.maximumf %get3A_1, %max3A_2 : vector<2500x128xf32>
    %abs3A = math.absf %get3A_1 : vector<2500x128xf32>
    %neg3A = arith.constant 0.000000e+00 : f32
    %neg3A_4 = vector.broadcast %neg3A : f32 to vector<2500x128xf32>
    %neg3A_5 = arith.subf %neg3A_4, %abs3A : vector<2500x128xf32>
    %exp3A = math.exp %neg3A_5 : vector<2500x128xf32>
    %log1p3A = math.log1p %exp3A : vector<2500x128xf32>
    %add3A = arith.addf %max3A_3, %log1p3A : vector<2500x128xf32>
    %get3A_6 = arith.constant 0 : index
    %get3A_7 = arith.constant 0 : index
    %get3A_8 = vector.load %arg1[%get3A_6, %get3A_7] : memref<1x1xf32, #tpu.memory_space<vmem>>, vector<1x1xf32>
    %get3A_9 = vector.extract %get3A_8[0, 0] : f32 from vector<1x1xf32>
    %mul3A = vector.broadcast %get3A_9 : f32 to vector<2500x128xf32>
    %mul3A_10 = arith.mulf %mul3A, %add3A : vector<2500x128xf32>
    %swap3A = arith.constant 0 : index
    %swap3A_11 = arith.constant 0 : index
    %swap3A_12 = vector.load %arg2[%swap3A, %swap3A_11] : memref<2500x128xf32, #tpu.memory_space<vmem>>, vector<2500x128xf32>
    tpu.vector_store %arg2[%swap3A, %swap3A_11], %mul3A_10 {strides = array<i32>} : memref<2500x128xf32, #tpu.memory_space<vmem>>, vector<2500x128xf32>,
    return
  }
}

module attributes {stable_mosaic.version = 14 : i64} {
  func.func @_final_body(%arg0: i32, %arg1: memref<1000x16xf32, #tpu.memory_space<vmem>>, %arg2: memref<1000x32xf32, #tpu.memory_space<vmem>>, %arg3: memref<1000x32xf32, #tpu.memory_space<vmem>>, %arg4: memref<1x16xf32, #tpu.memory_space<vmem>>, %arg5: memref<1x16xf32, #tpu.memory_space<vmem>>, %arg6: memref<1000x16xf32, #tpu.memory_space<vmem>>) attributes {dimension_semantics = [#tpu.dimension_semantics<arbitrary>], iteration_bounds = array<i64: 10>, scalar_prefetch = 0 : i64, scratch_operands = 0 : i64, tpu.core_type = #tpu.core_type<tc>, window_params = [{transform_indices = @transform_0, window_bounds = array<i64: 1000, 16>}, {transform_indices = @transform_1, window_bounds = array<i64: 1000, 32>}, {transform_indices = @transform_2, window_bounds = array<i64: 1000, 32>}, {pipeline_mode = #tpu.pipeline_mode<synchronous>, transform_indices = @transform_3, window_bounds = array<i64: 1, 16>}, {pipeline_mode = #tpu.pipeline_mode<synchronous>, transform_indices = @transform_4, window_bounds = array<i64: 1, 16>}, {transform_indices = @transform_5, window_bounds = array<i64: 1000, 16>}]} {
    %get3A = arith.constant 0 : index
    %get3A_0 = arith.constant 0 : index
    %get3A_1 = vector.load %arg2[%get3A, %get3A_0] : memref<1000x32xf32, #tpu.memory_space<vmem>>, vector<1000x32xf32>
    %get3A_2 = arith.constant 0 : index
    %get3A_3 = arith.constant 0 : index
    %get3A_4 = vector.load %arg3[%get3A_2, %get3A_3] : memref<1000x32xf32, #tpu.memory_space<vmem>>, vector<1000x32xf32>
    %add3A = arith.addf %get3A_1, %get3A_4 : vector<1000x32xf32>
    %slice3A = vector.extract_strided_slice %add3A {offsets = [0, 0], sizes = [1000, 16], strides = [1, 1]} : vector<1000x32xf32> to vector<1000x16xf32>
    %slice3A_5 = vector.extract_strided_slice %add3A {offsets = [0, 16], sizes = [1000, 1], strides = [1, 1]} : vector<1000x32xf32> to vector<1000x1xf32>
    %get3A_6 = arith.constant 0 : index
    %get3A_7 = arith.constant 0 : index
    %get3A_8 = vector.load %arg1[%get3A_6, %get3A_7] : memref<1000x16xf32, #tpu.memory_space<vmem>>, vector<1000x16xf32>
    %max3A = arith.constant 1.000000e+00 : f32
    %max3A_9 = vector.broadcast %max3A : f32 to vector<1000x1xf32>
    %max3A_10 = arith.maximumf %slice3A_5, %max3A_9 : vector<1000x1xf32>
    %div3A = vector.broadcast %max3A_10 : vector<1000x1xf32> to vector<1000x16xf32>
    %div3A_11 = arith.divf %slice3A, %div3A : vector<1000x16xf32>
    %add3A_12 = arith.addf %get3A_8, %div3A_11 : vector<1000x16xf32>
    %reduce_sum3A = arith.constant dense<0.000000e+00> : vector<1000xf32>
    %reduce_sum3A_13 = vector.multi_reduction <add>, %add3A_12, %reduce_sum3A [1] : vector<1000x16xf32> to vector<1000xf32>
    %broadcast_in_dim3A = vector.shape_cast %reduce_sum3A_13 : vector<1000xf32> to vector<1000x1xf32>
    %div3A_14 = arith.constant 1.600000e+01 : f32
    %div3A_15 = vector.broadcast %div3A_14 : f32 to vector<1000x1xf32>
    %div3A_16 = arith.divf %broadcast_in_dim3A, %div3A_15 : vector<1000x1xf32>
    %sub3A = vector.broadcast %div3A_16 : vector<1000x1xf32> to vector<1000x16xf32>
    %sub3A_17 = arith.subf %add3A_12, %sub3A : vector<1000x16xf32>
    %integer_pow3A = arith.mulf %sub3A_17, %sub3A_17 : vector<1000x16xf32>
    %reduce_sum3A_18 = arith.constant dense<0.000000e+00> : vector<1000xf32>
    %reduce_sum3A_19 = vector.multi_reduction <add>, %integer_pow3A, %reduce_sum3A_18 [1] : vector<1000x16xf32> to vector<1000xf32>
    %broadcast_in_dim3A_20 = vector.shape_cast %reduce_sum3A_19 : vector<1000xf32> to vector<1000x1xf32>
    %div3A_21 = arith.constant 1.600000e+01 : f32
    %div3A_22 = vector.broadcast %div3A_21 : f32 to vector<1000x1xf32>
    %div3A_23 = arith.divf %broadcast_in_dim3A_20, %div3A_22 : vector<1000x1xf32>
    %sub3A_24 = vector.broadcast %div3A_16 : vector<1000x1xf32> to vector<1000x16xf32>
    %sub3A_25 = arith.subf %add3A_12, %sub3A_24 : vector<1000x16xf32>
    %add3A_26 = arith.constant 9.99999974E-6 : f32
    %add3A_27 = vector.broadcast %add3A_26 : f32 to vector<1000x1xf32>
    %add3A_28 = arith.addf %div3A_23, %add3A_27 : vector<1000x1xf32>
    %rsqrt3A = math.rsqrt %add3A_28 : vector<1000x1xf32>
    %mul3A = vector.broadcast %rsqrt3A : vector<1000x1xf32> to vector<1000x16xf32>
    %mul3A_29 = arith.mulf %sub3A_25, %mul3A : vector<1000x16xf32>
    %get3A_30 = arith.constant 0 : index
    %get3A_31 = arith.constant 0 : index
    %get3A_32 = vector.load %arg4[%get3A_30, %get3A_31] : memref<1x16xf32, #tpu.memory_space<vmem>>, vector<1x16xf32>
    %mul3A_33 = vector.broadcast %get3A_32 : vector<1x16xf32> to vector<1000x16xf32>
    %mul3A_34 = arith.mulf %mul3A_29, %mul3A_33 : vector<1000x16xf32>
    %get3A_35 = arith.constant 0 : index
    %get3A_36 = arith.constant 0 : index
    %get3A_37 = vector.load %arg5[%get3A_35, %get3A_36] : memref<1x16xf32, #tpu.memory_space<vmem>>, vector<1x16xf32>
    %add3A_38 = vector.broadcast %get3A_37 : vector<1x16xf32> to vector<1000x16xf32>
    %add3A_39 = arith.addf %mul3A_34, %add3A_38 : vector<1000x16xf32>
    %max3A_40 = arith.constant 0.000000e+00 : f32
    %max3A_41 = vector.broadcast %max3A_40 : f32 to vector<1000x16xf32>
    %max3A_42 = arith.maximumf %add3A_39, %max3A_41 : vector<1000x16xf32>
    %swap3A = arith.constant 0 : index
    %swap3A_43 = arith.constant 0 : index
    %swap3A_44 = vector.load %arg6[%swap3A, %swap3A_43] : memref<1000x16xf32, #tpu.memory_space<vmem>>, vector<1000x16xf32>
    tpu.vector_store %arg6[%swap3A, %swap3A_43], %max3A_42 {strides = array<i32>} : memref<1000x16xf32, #tpu.memory_space<vmem>>, vector<1000x16xf32>,
    return
  }
  func.func @transform_0(%arg0: i32) -> (i32, i32) {
    %c0_i32 = arith.constant 0 : i32
    %c0_i32_0 = arith.constant 0 : i32
    return %arg0, %c0_i32 : i32, i32
  }
  func.func @transform_1(%arg0: i32) -> (i32, i32) {
    %c0_i32 = arith.constant 0 : i32
    %c0_i32_0 = arith.constant 0 : i32
    return %arg0, %c0_i32 : i32, i32
  }
  func.func @transform_2(%arg0: i32) -> (i32, i32) {
    %c0_i32 = arith.constant 0 : i32
    %c0_i32_0 = arith.constant 0 : i32
    return %arg0, %c0_i32 : i32, i32
  }
  func.func @transform_3(%arg0: i32) -> (i32, i32) {
    %c0_i32 = arith.constant 0 : i32
    %c0_i32_0 = arith.constant 0 : i32
    %c0_i32_1 = arith.constant 0 : i32
    return %c0_i32, %c0_i32_0 : i32, i32
  }
  func.func @transform_4(%arg0: i32) -> (i32, i32) {
    %c0_i32 = arith.constant 0 : i32
    %c0_i32_0 = arith.constant 0 : i32
    %c0_i32_1 = arith.constant 0 : i32
    return %c0_i32, %c0_i32_0 : i32, i32
  }
  func.func @transform_5(%arg0: i32) -> (i32, i32) {
    %c0_i32 = arith.constant 0 : i32
    %c0_i32_0 = arith.constant 0 : i32
    return %arg0, %c0_i32 : i32, i32
  }
}

</mosaic_0001>

<sc_bundles>
// kernel: kernel.6.cloned.1.call-start
scs
__scs_entry_jumppad:
0x0: {  	(pc) =	sbr.rel $0x88, $3  }
0x1: {  	(tag) =	ssettag $0x0;
	lr =	simm.s32 $0x1  }
0x2: {  	[smem:$0x3F98] =	sst lr;
	_ =	strace $0xD0000000  }
0x3: {  	_ = 	snop  }
0x4: {  	_ = 	snop  }
0x5: {  	_ = 	snop  }
0x6: {  	_ = 	snop  }
0x7: {  	_ = 	snop  }
__scs_overlays_trampoline_lowered:
0x8: {  	[smem:$0x3FA7] =	sst s0  }
0x9: {  	[smem:$0x3FA8] =	sst s1  }
0xa: {  	[smem:$0x3FA9] =	sst s2  }
0xb: {  	[smem:$0x3FAA] =	sst s3  }
0xc: {  	[smem:$0x3FAB] =	sst s4  }
0xd: {  	[smem:$0x3FAC] =	sst s5  }
0xe: {  	[smem:$0x3FAD] =	sst s6  }
0xf: {  	[smem:$0x3FAE] =	sst s7  }
0x10: {  	[smem:$0x3FAF] =	sst s8  }
0x11: {  	[smem:$0x3FB0] =	sst s9;
	s0 =	simm.s32 @!p0 $0x0  }
0x12: {  	s1 =	sld [smem:$0x3F96];
	s0 =	simm.s32 @p0 $0x1  }
0x13: {  	[smem:$0x3FB1] =	sst s0;
	s0 =	simm.s32 @!p1 $0x0  }
0x14: {  	s2 =	sld [smem:$0x3F95];
	s0 =	simm.s32 @p1 $0x1  }
0x15: {  	[smem:$0x3FB2] =	sst s0;
	s0 =	simm.s32 @!p2 $0x0  }
0x16: {  	s3 =	sld [smem:$0x3FDB];
	s0 =	simm.s32 @p2 $0x1  }
0x17: {  	s4 =	simm.s32 $0x1BF5;
	[smem:$0x3FB4] =	sst s0  }
0x18: {  	s0 =	sld [smem:$0x3F97];
	_ =	swait.ge [sflag:s4], $0x0  }
0x19: {  	s7 =	sld [smem:$0x3F98]  }
0x1a: {  	s8 =	sadd.s32 $0xFFFFE003, lr  }
0x1b: {  	s9 =	sadd.s32 $0xFFFFFEF7, lr;
	s5 =	simm.s32 $0xFFFFFFFF;
	p2 =	slt.u32 s8, $0xFFFFF086  }
0x1c: {  	p1 =	slt.u32 s9, $0xF7A;
	s5 =	simm.s32 @!p2 $0x0  }
0x1d: {  	s5 =	simm.s32 @p1 $0x1;
	p0 =	seq.s32 s7, s2  }
0x1e: {  	s7 =	smul.u32 @!p0 $0xF7A, s2;
	p2 =	seq.s32 @!p0 s5, $0x0  }
0x1f: {  	s9 =	smul.u32 $0xF7A, s1;
	s8 =	simm.s32 @!p0 $0x1BF5;
	p2 =	por !p2, p0  }
0x20: {  	[sflag:s8] =	ssyncset.s32 @!p0 $0xFFFFF086;
	s6 =	sadd.s32 @!p0 s3, s7;
	s7 =	simm.s32 @!p0 $0x108  }
0x21: {  	s3 =	sadd.s32 s3, s9;
	s6 =	sadd.s32 @!p0 $0x88, s6;
	s7 =	simm.s32 @p2 $0x1082  }
0x22: {  	[simem:s7], [sflag:s8] =	dma.local @!p0 [hbm:s6], $0xF7A  }
0x23: {  	s9 =	sor.u32 $0xD0000000, s2;
	s6 =	simm.s32 $0x108;
	_ =	swait.ge @!p0 [sflag:s8], $0x0  }
0x24: {  	s3 =	sadd.s32 $0x88, s3;
	s6 =	simm.s32 @!p1 $0x1082;
	[sflag:s4] =	ssyncset.s32 $0xFFFFF086  }
0x25: {  	[simem:s6], [sflag:s4] =	dma.local [hbm:s3], $0xF7A  }
0x26: {  	[smem:$0x3F98] =	sst s1;
	(tag) =	ssettag s2;
	_ =	strace s9  }
0x27: {  	s1 =	sld [smem:$0x3FA8]  }
0x28: {  	s2 =	sld [smem:$0x3FA9]  }
0x29: {  	s4 =	sld [smem:$0x3FAB]  }
0x2a: {  	p0 =	seq.s32 s5, $0x0;
	s5 =	sld [smem:$0x3FAC]  }
0x2b: {  	s6 =	sld [smem:$0x3FAD]  }
0x2c: {  	s7 =	sld [smem:$0x3FAE]  }
0x2d: {  	s3 =	simm.s32 $0x108;
	s8 =	sld [smem:$0x3FAF]  }
0x2e: {  	s3 =	simm.s32 @!p0 $0x1082;
	s9 =	sld [smem:$0x3FB0]  }
0x2f: {  	lr =	sadd.s32 s0, s3;
	s0 =	sld [smem:$0x3FA7]  }
0x30: {  	s3 =	sld [smem:$0x3FAA]  }
0x31: {  	[smem:$0x3FB3] =	sst s10  }
0x32: {  	s10 =	sld [smem:$0x3FB1];
	_ =	sdelay $0x3  }
0x33: {  	p0 =	seq.s32 s10, $0x1;
	s10 =	sld [smem:$0x3FB3];
	_ =	sdelay $0x3  }
0x34: {  	[smem:$0x3FB3] =	sst s10  }
0x35: {  	s10 =	sld [smem:$0x3FB2];
	_ =	sdelay $0x3  }
0x36: {  	p1 =	seq.s32 s10, $0x1;
	s10 =	sld [smem:$0x3FB3];
	_ =	sdelay $0x3  }
0x37: {  	[smem:$0x3FB3] =	sst s10  }
0x38: {  	s10 =	sld [smem:$0x3FB4]  }
0x39: {  	_ = 	snop;
	(pc) =	sbr.ind lr, $3  }
0x3a: {  	_ = 	snop  }
0x3b: {  	_ = 	snop  }
0x3c: {  	p2 =	seq.s32 s10, $0x1;
	s10 =	sld [smem:$0x3FB3]  }
0x3d: {  	_ =	shalt  }
0x3e: {  	_ =	shalt  }
0x3f: {  	_ =	shalt  }
0x40: {  	_ =	shalt  }
0x41: {  	_ =	shalt  }
0x42: {  	_ =	shalt  }
0x43: {  	_ =	shalt  }
0x44: {  	_ =	shalt  }
0x45: {  	_ =	shalt  }
0x46: {  	_ =	shalt  }
0x47: {  	_ =	shalt  }
0x48: {  	_ =	shalt  }
0x49: {  	_ =	shalt  }
0x4a: {  	_ =	shalt  }
0x4b: {  	_ =	shalt  }
0x4c: {  	_ =	shalt  }
0x4d: {  	_ =	shalt  }
0x4e: {  	_ =	shalt  }
0x4f: {  	_ =	shalt  }
0x50: {  	_ =	shalt  }
0x51: {  	_ =	shalt  }
0x52: {  	_ =	shalt  }
0x53: {  	_ =	shalt  }
0x54: {  	_ =	shalt  }
0x55: {  	_ =	shalt  }
0x56: {  	_ =	shalt  }
0x57: {  	_ =	shalt  }
0x58: {  	_ =	shalt  }
0x59: {  	_ =	shalt  }
0x5a: {  	_ =	shalt  }
0x5b: {  	_ =	shalt  }
0x5c: {  	_ =	shalt  }
0x5d: {  	_ =	shalt  }
0x5e: {  	_ =	shalt  }
0x5f: {  	_ =	shalt  }
0x60: {  	_ =	shalt  }
0x61: {  	_ =	shalt  }
0x62: {  	_ =	shalt  }
0x63: {  	_ =	shalt  }
0x64: {  	_ =	shalt  }
0x65: {  	_ =	shalt  }
0x66: {  	_ =	shalt  }
0x67: {  	_ =	shalt  }
0x68: {  	_ =	shalt  }
0x69: {  	_ =	shalt  }
0x6a: {  	_ =	shalt  }
0x6b: {  	_ =	shalt  }
0x6c: {  	_ =	shalt  }
0x6d: {  	_ =	shalt  }
0x6e: {  	_ =	shalt  }
0x6f: {  	_ =	shalt  }
0x70: {  	_ =	shalt  }
0x71: {  	_ =	shalt  }
0x72: {  	_ =	shalt  }
0x73: {  	_ =	shalt  }
0x74: {  	_ =	shalt  }
0x75: {  	_ =	shalt  }
0x76: {  	_ =	shalt  }
0x77: {  	_ =	shalt  }
0x78: {  	_ =	shalt  }
0x79: {  	_ =	shalt  }
0x7a: {  	_ =	shalt  }
0x7b: {  	_ =	shalt  }
0x7c: {  	_ =	shalt  }
0x7d: {  	_ =	shalt  }
0x7e: {  	_ =	shalt  }
0x7f: {  	_ =	shalt  }
0x80: {  	_ =	shalt  }
0x81: {  	_ =	shalt  }
0x82: {  	_ =	shalt  }
0x83: {  	_ =	shalt  }
0x84: {  	_ =	shalt  }
0x85: {  	_ =	shalt  }
0x86: {  	_ =	shalt  }
0x87: {  	_ =	shalt  }
.Lfunc_end0:
.L_simem_size_0:
called_computation_lowered:
.L_overlay_start_0:
0x88: {  	s2 =	sld [smem:$0x3FD9]  }
0x89: {  	s3 =	sld [smem:$0x3FFE];
	_ =	sdelay $0x1  }
0x8a: {  	s1 =	srdreg.scid  }
0x8b: {  	s0 =	sand.u32 $0x1, s1  }
0x8c: {  	s17 =	sshll.u32 s0, $0xA;
	s2 =	sadd.s32 s3, s2  }
0x8d: {  	s2 =	sadd.s32 s2, s17  }
0x8e: {  	[smem:$0x3FBF] =	sst s2  }
0x8f: {  	_ = 	snop  }
0x90: {  	s2 =	sld [smem:$0x3FD0];
	(tm) =	ssettm $0x1  }
0x91: {  	s18 =	sld [smem:$0x3FFB];
	_ =	sdelay $0x3  }
0x92: {  	_ =	strace s18  }
0x93: {  	s3 =	sld [smem:$0x3FFC];
	_ =	sdelay $0x3  }
0x94: {  	_ =	strace s3  }
0x95: {  	s3 =	sld [smem:$0x3FFD];
	_ =	sdelay $0x3  }
0x96: {  	_ =	strace s3  }
0x97: {  	_ =	strace $0x8FFFFFFF  }
0x98: {  	s19 =	sld [smem:$0x3FDB];
	_ =	sdelay $0x1  }
0x99: {  	s4 =	simm.s32 $_scs_section_size  }
0x9a: {  	s5 =	simm.s32 $_size__tile_overlayer_lowered;
	s6 =	simm.s32 $_tile_overlayer_lowered  }
0x9b: {  	s22 =	simm.s32 $0x1BFF;
	s21 =	sshll.u32 s6, $0x1;
	s3 =	sadd.s32 s4, s19  }
0x9c: {  	s7 =	simm.s32 $0x0;
	s20 =	sshll.u32 s5, $0x1;
	s5 =	sadd.s32 s21, s3  }
0x9d: {  	[timem:s7], [sflag:s22] =	dma.local [hbm:s5], s20  }
0x9e: {  	_ =	swait.ge [sflag:s22], s20  }
0x9f: {  	s4 =	ssub.s32 $0x0, s20;
	[sflag:s22] =	ssyncset.done $0x0  }
0xa0: {  	[sflag:s22] =	ssyncadd.s32 s4;
	_ =	sdelay $0x1  }
0xa1: {  	s23 =	simm.s32 $0x1B8B  }
0xa2: {  	_ =	swait.ge [sflag:s23], $0x1  }
0xa3: {  	[sflag:s23] =	ssyncset.done $0x0  }
0xa4: {  	s25 =	simm.s32 $0x1B8E;
	s24 =	sld [smem:$0x3FFE];
	[sflag:s23] =	ssyncadd.s32 $0xFFFFFFFF  }
0xa5: {  	s26 =	simm.s32 $execute0_lowered;
	[smem:$0x3FD2] =	sst s25  }
0xa6: {  	s5 =	sshll.u32 s26, $0x1;
	_ =	strace $0x80000046;
	[dreg:$0x1] =	wrdreg $0xFFFFFFFF  }
0xa7: {  	s28 =	simm.s32 $_size_execute0_lowered;
	s3 =	sadd.s32 s3, s5;
	[dreg:$0x0] =	wrdreg $0x0  }
0xa8: {  	s5 =	sshll.u32 s28, $0x1;
	[dreg:$0x2] =	wrdreg s3  }
0xa9: {  	[dreg:$0x3] =	wrdreg s5  }
0xaa: {  	[dreg:$0x4] =	wrdreg $0xC0  }
0xab: {  	_ =	task [dreg:s7], $0x5FFFF  }
0xac: {  	[dreg:$0x1] =	wrdreg $0xFFFFFFFF  }
0xad: {  	[dreg:$0x0] =	wrdreg $0x60  }
0xae: {  	[dreg:$0x2] =	wrdreg s2  }
0xaf: {  	[dreg:$0x3] =	wrdreg s24  }
0xb0: {  	[dreg:$0x4] =	wrdreg $0xA1800  }
0xb1: {  	[dreg:$0x5] =	wrdreg $0x9  }
0xb2: {  	_ =	task.clear_ibuf [dreg:s7], $0x6FFFF;
	_ =	strace $0x90000046  }
0xb3: {  	s29 =	simm.s32 $0x9;
	_ =	strace $0x80000048  }
0xb4: {  	_ =	swait.ge [sflag:s29], $0x1  }
0xb5: {  	[sflag:s29] =	ssyncadd.s32 $0xFFFFFFFF  }
0xb6: {  	_ =	strace $0x90000048  }
0xb7: {  	_ =	sfence  }
0xb8: {  	s30 =	sld [smem:$0x0];
	_ =	sdelay $0x2  }
0xb9: {  	s31 =	sshll.u32 s1, $0xD;
	s1 =	sshrl.u32 s1, $0x2  }
0xba: {  	s3 =	sand.u32 $0x4000, s31;
	s1 =	sadd.s32 s1, s30  }
0xbb: {  	s0 =	sor.u32 s3, s0;
	s1 =	sshll.u32 s1, $0x11  }
0xbc: {  	s0 =	sor.u32 s1, s0  }
0xbd: {  	s0 =	sadd.s32 $0x8F2B, s0  }
0xbe: {  	[sflag:s0] =	ssyncadd.remote.s32 $0x1  }
0xbf: {  	_ =	sfence.sel $0xFFFF  }
0xc0: {  	[dreg:$0x0] =	wrdreg $0xFFFFFFFF;
	(pc) =	sbr.abs _section_cstart, $3  }
0xc1: {  	[dreg:$0x1] =	wrdreg $0xFFFFFFFF  }
0xc2: {  	_ =	task.clear_ibuf [dreg:s7], $0x2FFFF;
	_ =	strace $0x9FFFFFFF  }
0xc3: {  	(tm) =	ssettm $0x7FFFFFFF  }
tec
execute0_lowered:
.L_overlay_start_1:
0x0: {  	(tag) =	ssettag $0x1  }
0x1: {  	v0 =	vimm.s32 $0xBCAB9A89  }
0x2: {  	v2 =	vimm.s32 $0x34231201;
	v3 =	vimm.s32 $0x78675645;
	vm0 =	vcmask $0x1F10  }
0x3: {  	vm1 =	vcmask $0x300;
	v5 =	vimm.s32 $0x87654321;
	v6 =	vimm.s32 $0xBDAC9B8A  }
0x4: {  	v8 =	vimm.s32 $0x35241302;
	v9 =	vimm.s32 $0x79685746;
	v11 =	vimm.s32 $0x36251403  }
0x5: {  	v12 =	vimm.s32 $0x7A695847;
	v14 =	vimm.s32 $0x7B6A5948;
	v19 =	vimm.s32 $0x7C6B5A49  }
0x6: {  	v20 =	vimm.s32 $0xCBA98765;
	v23 =	vimm.s32 $0x7E6D5C4B;
	v27 =	vimm.s32 $0x543210FE  }
0x7: {  	v31 =	vimm.s32 $0x7F6E5D4C;
	v33 =	vimm.s32 $0x76543210;
	v41 =	vimm.s32 $0x3C2B1A09  }
0x8: {  	v42 =	vimm.s32 $0x706F5E4D;
	v43 =	vimm.s32 $0xF9E8D7C6;
	v44 =	vimm.s32 $0x3D2C1B0A  }
0x9: {  	v34 =	vimm.s32 $0x71605F4E;
	v46 =	vimm.s32 $0xFAE9D8C7;
	v47 =	vimm.s32 $0x3E2D1C0B  }
0xa: {  	v48 =	vimm.s32 $0x7261504F;
	v49 =	vimm.s32 $0xFBEAD9C8;
	v50 =	vimm.s32 $0x3F2E1D0C  }
0xb: {  	v51 =	vimm.s32 $0x73625140;
	v53 =	vimm.s32 $0xB8A79685;
	v54 =	vimm.s32 $0xFCEBDAC9  }
0xc: {  	v56 =	vimm.s32 $0xDCBA9876;
	v57 =	vimm.s32 $0xFDECDBCA;
	v58 =	vimm.s32 $0x31201F0E  }
0xd: {  	v36 =	vimm.s32 $0x75645342;
	v60 =	vimm.s32 $0xBAA99887;
	v61 =	vimm.s32 $0xFEEDDCCB  }
0xe: {  	v62 =	vimm.s32 $0x76655443;
	v1 =	vunpack.c.0.s8.s32 v0;
	v0 =	vimm.s32 $0xF0EFDECD  }
0xf: {  	v2 =	vunpack.c.0.s8.s32 v2;
	v3 =	vunpack.c.0.s8.s32 v3;
	v5 =	vunpack.c.l.s4.s8 v5  }
0x10: {  	v6 =	vunpack.c.0.s8.s32 v6;
	v8 =	vunpack.c.0.s8.s32 v8;
	v9 =	vunpack.c.0.s8.s32 v9  }
0x11: {  	v11 =	vunpack.c.0.s8.s32 v11;
	v12 =	vunpack.c.0.s8.s32 v12;
	v14 =	vunpack.c.0.s8.s32 v14  }
0x12: {  	v19 =	vunpack.c.0.s8.s32 v19;
	v23 =	vunpack.c.0.s8.s32 v23;
	v31 =	vunpack.c.0.s8.s32 v31  }
0x13: {  	v45 =	vunpack.c.0.s8.s32 v34;
	v34 =	vunpack.c.0.s8.s32 v48;
	v4 =	vunpack.c.0.s8.s32 v0  }
0x14: {  	v52 =	vunpack.c.0.s8.s32 v51;
	v55 =	vunpack.c.0.s8.s32 v54;
	v36 =	vunpack.c.0.s8.s32 v36  }
0x15: {  	v0 =	vimm.f32 $0.0e+00;
	v3 =	vsel vm0, v3, v2;
	v4 =	vsel vm0, v4, v1  }
0x16: {  	v2 =	vlaneseq.u32;
	v4 =	vcombine.low v3, v4;
	v3 =	vimm.s32 $0xFEDCBA9  }
0x17: {  	v16 =	vunpack.c.0.s8.s32 v5;
	v7 =	vunpack.c.l.s4.s8 v3;
	v3 =	vimm.s32 $0xF1E0DFCE  }
0x18: {  	v5 =	vimm.s32 $0x10FEDCBA;
	v1 =	vsel vm1, $0x3F800000, v0;
	v10 =	vunpack.c.0.s8.s32 v3  }
0x19: {  	v3 =	vmul.u32 $0x11, v2;
	v4 =	vand.u32 $0xFF, v4;
	v15 =	vunpack.c.0.s8.s32 v7  }
0x1a: {  	v7 =	vsel vm0, v9, v8;
	v8 =	vimm.s32 $0x98765432;
	v9 =	vimm.s32 $0xBEAD9C8B  }
0x1b: {  	v6 =	vsel vm0, v10, v6;
	v10 =	vunpack.c.l.s4.s8 v5;
	v5 =	vimm.s32 $0xF2E1D0CF  }
0x1c: {  	v8 =	vunpack.c.l.s4.s8 v8;
	v13 =	vunpack.c.0.s8.s32 v5;
	v5 =	vcombine.low v16, v15  }
0x1d: {  	v9 =	vunpack.c.0.s8.s32 v9;
	v6 =	vcombine.low v7, v6;
	v15 =	vcombine.low v15, v16  }
0x1e: {  	v18 =	vunpack.c.0.s8.s32 v10;
	v22 =	vunpack.c.0.s8.s32 v8;
	v8 =	vsel vm0, v12, v11  }
0x1f: {  	v10 =	vimm.s32 $0xA9876543;
	v11 =	vimm.s32 $0xBFAE9D8C;
	v12 =	vimm.s32 $0xF3E2D1C0  }
0x20: {  	v7 =	vsel vm0, v13, v9;
	v9 =	vimm.s32 $0x210FEDCB;
	v10 =	vunpack.c.l.s4.s8 v10  }
0x21: {  	v11 =	vunpack.c.0.s8.s32 v11;
	v13 =	vimm.s32 $0x37261504;
	v12 =	vunpack.c.0.s8.s32 v12  }
0x22: {  	v9 =	vunpack.c.l.s4.s8 v9;
	v13 =	vunpack.c.0.s8.s32 v13;
	v8 =	vcombine.low v8, v7  }
0x23: {  	v24 =	vunpack.c.0.s8.s32 v10;
	v7 =	vsel vm0, v12, v11;
	v10 =	vimm.s32 $0x3210FEDC  }
0x24: {  	v17 =	vunpack.c.0.s8.s32 v9;
	v9 =	vsel vm0, v14, v13;
	v12 =	vunpack.c.l.s4.s8 v10  }
0x25: {  	v6 =	vand.u32 $0xFF, v6;
	v14 =	vimm.s32 $0x38271605;
	v11 =	vcombine.low v9, v7  }
0x26: {  	v13 =	vimm.s32 $0xF4E3D2C1;
	v14 =	vunpack.c.0.s8.s32 v14;
	v25 =	vunpack.c.0.s8.s32 v12  }
0x27: {  	v12 =	vimm.s32 $0xBA987654;
	v10 =	vand.u32 $0xFF, v11;
	v11 =	vimm.s32 $0xB0AF9E8D  }
0x28: {  	v13 =	vunpack.c.0.s8.s32 v13;
	v12 =	vunpack.c.l.s4.s8 v12;
	v11 =	vunpack.c.0.s8.s32 v11  }
0x29: {  	v8 =	vand.u32 $0xFF, v8;
	v14 =	vsel vm0, v19, v14;
	v19 =	vunpack.c.l.s4.s8 v20  }
0x2a: {  	v26 =	vunpack.c.0.s8.s32 v12;
	v11 =	vsel vm0, v13, v11;
	v13 =	vimm.s32 $0x43210FED  }
0x2b: {  	v13 =	vunpack.c.l.s4.s8 v13;
	v12 =	vcombine.low v14, v11;
	v11 =	vimm.s32 $0xB1A09F8E  }
0x2c: {  	v30 =	vunpack.c.0.s8.s32 v19;
	v19 =	vimm.s32 $0x7D6C5B4A;
	v14 =	vunpack.c.0.s8.s32 v11  }
0x2d: {  	v11 =	vimm.s32 $0xF5E4D3C2;
	v29 =	vunpack.c.0.s8.s32 v13;
	v13 =	vimm.s32 $0x39281706  }
0x2e: {  	v19 =	vunpack.c.0.s8.s32 v19;
	v20 =	vunpack.c.0.s8.s32 v11;
	v21 =	vunpack.c.0.s8.s32 v13  }
0x2f: {  	v9 =	vcombine.low v24, v17;
	v17 =	vcombine.low v17, v24;
	v24 =	vimm.s32 $0x302F1E0D  }
0x30: {  	v14 =	vsel vm0, v20, v14;
	v20 =	vimm.s32 $0xB2A1908F;
	v19 =	vsel vm0, v19, v21  }
0x31: {  	v19 =	vcombine.low v19, v14;
	v14 =	vunpack.c.0.s8.s32 v20;
	v20 =	vimm.s32 $0xF6E5D4C3  }
0x32: {  	v7 =	vcombine.low v22, v18;
	v24 =	vunpack.c.0.s8.s32 v24;
	v21 =	vunpack.c.0.s8.s32 v20  }
0x33: {  	v11 =	vcombine.low v26, v25;
	v12 =	vand.u32 $0xFF, v12;
	v20 =	vimm.s32 $0x3A291807  }
0x34: {  	v28 =	vunpack.c.0.s8.s32 v20;
	v14 =	vsel vm0, v21, v14;
	v21 =	vimm.s32 $0xB3A29180  }
0x35: {  	v20 =	vunpack.c.l.s4.s8 v27;
	v27 =	vunpack.c.0.s8.s32 v21;
	v21 =	vimm.s32 $0xF7E6D5C4  }
0x36: {  	v23 =	vsel vm0, v23, v28;
	v28 =	vunpack.c.0.s8.s32 v21;
	v21 =	vimm.s32 $0x3B2A1908  }
0x37: {  	v13 =	vcombine.low v30, v29;
	v29 =	vcombine.low v29, v30;
	v32 =	vunpack.c.0.s8.s32 v21  }
0x38: {  	v19 =	vand.u32 $0xFF, v19;
	v21 =	vcombine.low v23, v14;
	v23 =	vimm.s32 $0xFEDCBA98  }
0x39: {  	v27 =	vsel vm0, v28, v27;
	v28 =	vsel vm0, v31, v32;
	v31 =	vunpack.c.l.s4.s8 v23  }
0x3a: {  	v63 =	vunpack.c.0.s8.s32 v20;
	v14 =	vunpack.c.l.s4.s8 v33;
	v23 =	vcombine.low v28, v27  }
0x3b: {  	v27 =	vimm.s32 $0xB4A39281;
	v28 =	vunpack.c.0.s8.s32 v31;
	v31 =	vimm.s32 $0xF8E7D6C5  }
0x3c: {  	v14 =	vunpack.c.0.s8.s32 v14;
	v27 =	vunpack.c.0.s8.s32 v27;
	v31 =	vunpack.c.0.s8.s32 v31  }
0x3d: {  	v33 =	vunpack.c.0.s8.s32 v42;
	v32 =	vunpack.c.0.s8.s32 v41;
	v28 =	vand.u32 $0xF, v28  }
0x3e: {  	v14 =	vcombine.low v28, v14;
	v27 =	vsel vm0, v31, v27;
	v28 =	vimm.s32 $0xB5A49382  }
0x3f: {  	v31 =	vsel vm0, v33, v32;
	v32 =	vunpack.c.0.s8.s32 v43;
	v28 =	vunpack.c.0.s8.s32 v28  }
0x40: {  	v21 =	vand.u32 $0xFF, v21;
	v27 =	vcombine.low v31, v27;
	v31 =	vunpack.c.0.s8.s32 v44  }
0x41: {  	v33 =	vunpack.c.0.s8.s32 v47;
	v16 =	vsel vm0, v32, v28;
	v28 =	vimm.s32 $0xB6A59483  }
0x42: {  	v31 =	vsel vm0, v45, v31;
	v32 =	vunpack.c.0.s8.s32 v46;
	v28 =	vunpack.c.0.s8.s32 v28  }
0x43: {  	v31 =	vcombine.low v31, v16;
	v16 =	vcombine.low v18, v22;
	v22 =	vimm.s32 $0xB7A69584  }
0x44: {  	v22 =	vunpack.c.0.s8.s32 v22;
	v18 =	vsel vm0, v32, v28;
	v28 =	vsel vm0, v34, v33  }
0x45: {  	s0 =	rddreg [dreg:$0x0];
	v32 =	vunpack.c.0.s8.s32 v49;
	v28 =	vcombine.low v28, v18;
	v18 =	vunpack.c.0.s8.s32 v50  }
0x46: {  	s1 =	rddreg [dreg:$0x1];
	v23 =	vand.u32 $0xFF, v23;
	v34 =	vunpack.c.l.s4.s8 v56;
	v33 =	vunpack.c.0.s8.s32 v58  }
0x47: {  	s2 =	rddreg [dreg:$0x2];
	v22 =	vsel vm0, v32, v22;
	v32 =	vunpack.c.0.s8.s32 v53;
	v18 =	vsel vm0, v52, v18  }
0x48: {  	s3 =	simm.s32 $0x0;
	s5 =	srdreg.scid;
	s19 =	stileid.u32;
	v59 =	vsel vm0, v36, v33;
	v35 =	vcombine.low v18, v22;
	v18 =	vcombine.low v25, v26  }
0x49: {  	s10 =	simm.s32 $0x5;
	s13 =	simm.s32 $0x28;
	s18 =	simm.s32 $0x2;
	v22 =	vsel vm0, v55, v32;
	v25 =	vimm.s32 $0x74635241;
	v26 =	vimm.s32 $0xB9A89786  }
0x4a: {  	s20 =	simm.s32 $0x1;
	s21 =	simm.s32 $0x1100;
	s22 =	simm.s32 $0x9100;
	v32 =	vunpack.c.0.s8.s32 v57;
	v25 =	vunpack.c.0.s8.s32 v25;
	v26 =	vunpack.c.0.s8.s32 v26  }
0x4b: {  	s23 =	simm.s32 $0x0;
	[smem:$0x7FF] =	sst s3;
	s4 =	sadd.s32 $0x29200, s1;
	v33 =	vunpack.c.0.s8.s32 v60;
	v36 =	vunpack.c.0.s8.s32 v61;
	v34 =	vunpack.c.0.s8.s32 v34  }
0x4c: {  	s5 =	sand.u32 $0x1, s5;
	s6 =	sadd.s32 $0x4E49000, s1;
	s7 =	sadd.s32 $0x33000, s1;
	v24 =	vsel vm0, v25, v24;
	v25 =	vimm.s32 $0x6543210F;
	v26 =	vsel vm0, v32, v26  }
0x4d: {  	s1 =	sadd.s32 $0x3CE00, s1;
	p0 =	slt.u32 s19, $0xE;
	s14 =	sshll.u32 s19, $0xC;
	v25 =	vunpack.c.l.s4.s8 v25;
	v37 =	vcombine.low v24, v22;
	v22 =	vimm.s32 $0xEDCBA987  }
0x4e: {  	s12 =	sadd.s32 $0x4E000, s2;
	_ =	strace $0x80000047;
	s8 =	ssub.s32 $0x2, s5;
	v32 =	vcombine.low v59, v26;
	v24 =	vsel vm0, v36, v33;
	v26 =	vimm.s32 $0x3221100F  }
0x4f: {  	s15 =	smul.u32 $0x4E200, s5;
	s10 =	simm.s32 @!p0 $0x4;
	p0 =	seq.s32 s19, $0x0;
	v33 =	vunpack.c.0.s8.s32 v62;
	v22 =	vunpack.c.l.s4.s8 v22;
	v26 =	vunpack.c.0.s8.s32 v26  }
0x50: {  	s11 =	sadd.s32 s14, s2;
	s9 =	sshrl.u32 s8, $0x1;
	s13 =	simm.s32 @!p0 $0x27;
	v20 =	vcombine.low v34, v63;
	v38 =	vunpack.c.0.s8.s32 v25;
	v25 =	vand.u32 $0xFF, v31  }
0x51: {  	p0 =	sne.s32 s19, $0xF;
	s8 =	ssub.s32 s8, s9;
	s9 =	sshll.u32 s19, $0x1;
	v30 =	vand.u32 $0xFF, v32;
	v39 =	vunpack.c.0.s8.s32 v22;
	v22 =	vsel vm0, v33, v26  }
0x52: {  	s16 =	sshrl.u32 s15, $0x3;
	s17 =	sadd.s32 s14, s15;
	s19 =	simm.s32 $0x80;
	v31 =	vcombine.low v63, v34;
	v26 =	vand.u32 $0xFF, v28;
	v33 =	vcombine.low v22, v24  }
0x53: {  	s16 =	sadd.s32 s1, s16;
	s15 =	smax.u32 s8, $0x1;
	s31 =	sshrl.u32 s17, $0x3;
	v28 =	vand.u32 $0xFF, v37;
	v24 =	vand.u32 $0xFF, v27;
	v27 =	vand.u32 $0xFF, v35  }
0x54: {  	s17 =	simm.s32 $0x9180;
	[tilespmem:$0x1FFF0] =	vst v1;
	s14 =	sadd.s32 $0x9C00, s16;
	s16 =	sadd.s32 s31, s1;
	v22 =	vcombine.low v39, v38;
	v32 =	vand.u32 $0xFF, v33;
	v33 =	vcombine.low v38, v39  }
.LBB2_1:
0x55: {  	s1 =	simm.s32 $0x80;
	s8 =	simm.s32 $0x0  }
.LBB2_2:
0x56: {  	p1 =	sne.s32 s1, $0x3F80;
	[tilespmem:s8+$0x9180] =	vst v0;
	s24 =	smov.u32 s1;
	s1 =	sadd.s32 $0x80, s1  }
.Ltmp0:
0x57: {  	[tilespmem:s8+$0x9190] =	vst v0;
	(pc) =	sbr.rel @p1 .LBB2_2-.Ltmp0, $2  }
0x58: {  	_ =	sdelay $0x2  }
0x59: {  	s8 =	sshra.s32 s24, $0x2  }
0x5a: {  	p1 =	sne.s32 s10, $0x1  }
.Ltmp1:
0x5b: {  	[tilespmem:s8+$0x9180] =	vst v0;
	(pc) =	sbr.rel @!p1 .LBB2_5-.Ltmp1, $4  }
0x5c: {  	[tilespmem:s8+$0x9190] =	vst v0  }
0x5d: {  	[spmem:s11] =	stream.linear.scatter [tilespmem:s17], [sflag:$0x2], $0x1000, $0x38;
	[tilespmem:$0xEFA0] =	vst v63  }
0x5e: {  	_ =	swait.ge [sflag:s18], $0x1000  }
0x5f: {  	s1 =	sadd.s32 $0xFFFFFFFF, s10;
	s8 =	smov.u32 s11;
	[sflag:s18] =	ssyncset.done $0x0  }
.LBB2_4:
0x60: {  	p2 =	sne.s32 s1, $0x1;
	[sflag:s18] =	ssyncadd.s32 $0xFFFFF000;
	s8 =	sadd.s32 $0x10000, s8  }
.Ltmp2:
0x61: {  	s1 =	sadd.s32 $0xFFFFFFFF, s1;
	(pc) =	sbr.rel @p2 .LBB2_4-.Ltmp2, $4  }
0x62: {  	_ = 	snop  }
0x63: {  	[spmem:s8] =	stream.linear.scatter [tilespmem:s17], [sflag:$0x2], $0x1000, $0x38;
	[tilespmem:$0xEFA0] =	vst v63  }
0x64: {  	_ =	swait.ge [sflag:s18], $0x1000  }
0x65: {  	[sflag:s18] =	ssyncset.done $0x0  }
.LBB2_5:
0x66: {  	[sflag:s18] =	ssyncadd.s32 $0xFFFFF000;
	s1 =	simm.s32 @!p0 $0x9180  }
0x67: {  	[spmem:s12] =	stream.linear.scatter @!p0 [tilespmem:s1], [sflag:$0x2], $0x200, $0x38;
	[tilespmem:$0xEFA0] =	vst v63  }
0x68: {  	s1 =	simm.s32 @!p0 $0x2  }
0x69: {  	_ =	swait.ge @!p0 [sflag:s1], $0x200  }
0x6a: {  	[sflag:s1] =	ssyncset.done @!p0 $0x0  }
0x6b: {  	s24 =	simm.s32 $0x0;
	[sflag:s1] =	ssyncadd.s32 @!p0 $0xFFFFFE00  }
0x6c: {  	s8 =	simm.s32 $0x0;
	s1 =	simm.s32 $0x80;
	[bflag:$0x0] =	sbarrier.arrive $0xFFFF  }
.LBB2_6:
0x6d: {  	p2 =	sne.s32 s1, $0x3F80;
	[tilespmem:s8+$0x9190] =	vst v1;
	s8 =	smov.u32 s1;
	s1 =	sadd.s32 $0x80, s1  }
.Ltmp3:
0x6e: {  	(pc) =	sbr.rel @p2 .LBB2_6-.Ltmp3, $2  }
0x6f: {  	_ =	sdelay $0x2  }
0x70: {  	s8 =	sshra.s32 s8, $0x2  }
0x71: {  	[tilespmem:s8+$0x9190] =	vst v1  }
.LBB2_8:
0x72: {  	s1 =	sshll.u32 s24, $0x5  }
0x73: {  	s1 =	sor.u32 s1, s9  }
0x74: {  	s8 =	sor.u32 s5, s1  }
0x75: {  	s25 =	sshll.u32 s8, $0x7  }
0x76: {  	s29 =	sshrl.u32 s25, $0x3  }
0x77: {  	s1 =	simm.s32 $0x0;
	s26 =	sadd.s32 s4, s29  }
0x78: {  	[tilespmem:s1], [sflag:$0x2] =	stream.linear.gather [hbm4b:s26+s1], $0x80, $0x38;
	[tilespmem:$0xEFA0] =	vst v63  }
0x79: {  	s26 =	sadd.s32 $0x27100, s25;
	_ =	swait.ge [sflag:s18], $0x80  }
0x7a: {  	s25 =	sshrl.u32 s26, $0x3;
	[sflag:s18] =	ssyncset.done $0x0  }
0x7b: {  	s28 =	sadd.s32 s4, s25;
	[sflag:s18] =	ssyncadd.s32 $0xFFFFFF80  }
0x7c: {  	[tilespmem:s19], [sflag:$0x2] =	stream.linear.gather [hbm4b:s28+s1], $0x80, $0x38;
	[tilespmem:$0xEFA0] =	vst v63  }
0x7d: {  	_ =	swait.ge [sflag:s18], $0x80  }
0x7e: {  	[sflag:s18] =	ssyncset.done $0x0  }
0x7f: {  	s30 =	simm.s32 $0x100;
	[sflag:s18] =	ssyncadd.s32 $0xFFFFFF80  }
0x80: {  	[tilespmem:s30], [sflag:$0x1] =	stream.indirect.gather [hbm4b:s0+s19], $0x10, s1, s19, $0xb8;
	[tilespmem:$0xEFA0] =	vst v63  }
0x81: {  	_ =	swait.ge [sflag:s20], $0x800  }
0x82: {  	[sflag:s20] =	ssyncset.done $0x0  }
0x83: {  	s28 =	simm.s32 $0x900;
	[sflag:s20] =	ssyncadd.s32 $0xFFFFF800  }
0x84: {  	[tilespmem:s28], [sflag:$0x1] =	stream.indirect.gather [hbm4b:s0+s19], $0x10, s19, s19, $0xb8;
	[tilespmem:$0xEFA0] =	vst v63  }
0x85: {  	_ =	swait.ge [sflag:s20], $0x800  }
0x86: {  	s8 =	sshll.u32 s8, $0xC;
	[sflag:s20] =	ssyncset.done $0x0  }
0x87: {  	s8 =	sadd.s32 s6, s8;
	[sflag:s20] =	ssyncadd.s32 $0xFFFFF800  }
0x88: {  	[tilespmem:s21], [sflag:$0x2] =	stream.linear.gather [hbm4b:s8+s1], $0x8000, $0x38;
	[tilespmem:$0xEFA0] =	vst v63  }
0x89: {  	_ =	swait.ge [sflag:s18], $0x8000  }
0x8a: {  	[sflag:s18] =	ssyncset.done $0x0  }
0x8b: {  	s8 =	sadd.s32 s7, s29;
	[sflag:s18] =	ssyncadd.s32 $0xFFFF8000  }
0x8c: {  	[tilespmem:s22], [sflag:$0x2] =	stream.linear.gather [hbm4b:s8+s1], $0x80, $0x38;
	[tilespmem:$0xEFA0] =	vst v63  }
0x8d: {  	v34 =	vor.u32 s1, v27;
	_ =	swait.ge [sflag:s18], $0x80  }
0x8e: {  	v35 =	vor.u32 s1, v28;
	[sflag:s18] =	ssyncset.done $0x0  }
0x8f: {  	v36 =	vor.u32 s1, v23;
	[sflag:s18] =	ssyncadd.s32 $0xFFFFFF80  }
0x90: {  	v38 =	vor.u32 s1, v24;
	v37 =	vld [tilespmem:s30+$0x0]  }
0x91: {  	v39 =	vor.u32 s1, v10  }
0x92: {  	v40 =	vor.u32 s1, v12;
	v34 =	vld.idx.msk [tilespmem:v34+s21+$0x0], $0xffff  }
0x93: {  	v41 =	vor.u32 s1, v3;
	v35 =	vld.idx.msk [tilespmem:v35+s21+$0x0], $0xffff  }
0x94: {  	v42 =	vor.u32 s1, v4;
	v36 =	vld.idx.msk [tilespmem:v36+s21+$0x0], $0xffff  }
0x95: {  	v45 =	vor.u32 s1, v6;
	v38 =	vld.idx.msk [tilespmem:v38+s21+$0x0], $0xffff;
	v43 =	vperm.xlane v37, v18;
	v44 =	vperm.xlane v37, v29  }
0x96: {  	v48 =	vor.u32 s1, v8;
	v39 =	vld.idx.msk [tilespmem:v39+s21+$0x0], $0xffff;
	v46 =	vperm.xlane v37, v31;
	v47 =	vperm.xlane v37, v33  }
0x97: {  	v51 =	vor.u32 s1, v19;
	v40 =	vld.idx.msk [tilespmem:v40+s21+$0x0], $0xffff;
	v49 =	vperm.xlane v37, v14;
	v50 =	vperm.xlane v37, v15  }
0x98: {  	v57 =	vor.u32 s1, v25;
	v41 =	vld.idx.msk [tilespmem:v41+s21+$0x0], $0xffff;
	v52 =	vperm.xlane v37, v16;
	v53 =	vperm.xlane v37, v17  }
0x99: {  	v54 =	vor.u32 s1, v21;
	v42 =	vld.idx.msk [tilespmem:v42+s21+$0x0], $0xffff;
	v55 =	vperm.xlane v37, v11;
	v56 =	vperm.xlane v37, v13  }
0x9a: {  	v60 =	vor.u32 s1, v26;
	v45 =	vld.idx.msk [tilespmem:v45+s21+$0x0], $0xffff;
	v58 =	vperm.xlane v37, v20;
	v59 =	vperm.xlane v37, v22  }
0x9b: {  	v1 =	vor.u32 s1, v32;
	v48 =	vld.idx.msk [tilespmem:v48+s21+$0x0], $0xffff;
	v61 =	vperm.xlane v37, v2;
	v62 =	vperm.xlane v37, v5  }
0x9c: {  	v63 =	vor.u32 s1, v30;
	v51 =	vld.idx.msk [tilespmem:v51+s21+$0x0], $0xffff;
	v0 =	vperm.xlane v37, v7;
	v37 =	vperm.xlane v37, v9  }
0x9d: {  	v57 =	vld.idx.msk [tilespmem:v57+s21+$0x0], $0xffff;
	v34 =	vmul.f32 v43, v34;
	v35 =	vmul.f32 v44, v35  }
0x9e: {  	v43 =	vld.idx.msk [tilespmem:v54+s21+$0x0], $0xffff;
	v36 =	vmul.f32 v49, v36;
	v38 =	vmul.f32 v50, v38  }
0x9f: {  	v60 =	vld.idx.msk [tilespmem:v60+s21+$0x0], $0xffff;
	v39 =	vmul.f32 v55, v39;
	v40 =	vmul.f32 v56, v40  }
0xa0: {  	v1 =	vld.idx.msk [tilespmem:v1+s21+$0x0], $0xffff;
	v41 =	vmul.f32 v61, v41;
	v42 =	vmul.f32 v62, v42  }
0xa1: {  	v62 =	vld.idx.msk [tilespmem:v63+s21+$0x0], $0xffff;
	v63 =	vmov s1;
	v0 =	vmul.f32 v0, v45;
	v37 =	vmul.f32 v37, v48  }
0xa2: {  	v56 =	vmul.f32 v58, v51;
	v41 =	vadd.f32 $0.0e+00, v41;
	v42 =	vadd.f32 $0.0e+00, v42  }
0xa3: {  	v0 =	vadd.f32 $0.0e+00, v0;
	v37 =	vadd.f32 $0.0e+00, v37;
	v43 =	vmul.f32 v59, v43  }
0xa4: {  	v57 =	vmul.f32 v52, v57;
	v39 =	vadd.f32 v39, v41;
	v40 =	vadd.f32 v40, v42  }
0xa5: {  	v58 =	vmul.f32 v53, v60;
	v0 =	vadd.f32 v56, v0;
	v37 =	vadd.f32 v43, v37  }
0xa6: {  	v1 =	vmul.f32 v47, v1;
	v36 =	vadd.f32 v36, v39;
	v38 =	vadd.f32 v38, v40  }
0xa7: {  	v59 =	vmul.f32 v46, v62;
	v0 =	vadd.f32 v57, v0;
	v37 =	vadd.f32 v58, v37  }
0xa8: {  	v34 =	vadd.f32 v34, v36;
	v35 =	vadd.f32 v35, v38  }
0xa9: {  	v0 =	vadd.f32 v59, v0;
	v1 =	vadd.f32 v1, v37  }
0xaa: {  	v60 =	vld [tilespmem:s28+$0x0]  }
0xab: {  	v34 =	vadd.f32 v35, v34;
	v0 =	vadd.f32 v1, v0  }
0xac: {  	v1 =	vld.idx.msk [tilespmem:v63+s22+$0x0], $0xffff  }
0xad: {  	v0 =	vadd.f32 v0, v34;
	_ =	sdelay $0x1  }
0xae: {  	v0 =	vsub.f32 v0, v60  }
0xaf: {  	s30 =	simm.s32 $0x100  }
0xb0: {  	v61 =	vor.u32 s30, v27;
	v0 =	vmul.f32 v0, v1  }
0xb1: {  	s29 =	simm.s32 $0x9180;
	v62 =	vor.u32 s30, v23  }
0xb2: {  	s1 =	simm.s32 $0x110;
	v63 =	vor.u32 s30, v10;
	[tilespmem:s29+$0x0] =	vst v0  }
0xb3: {  	v1 =	vor.u32 s30, v28;
	v36 =	vld [tilespmem:s1+$0x0]  }
0xb4: {  	v0 =	vor.u32 s30, v24  }
0xb5: {  	v48 =	vor.u32 s30, v12;
	v37 =	vld.idx.msk [tilespmem:v61+s21+$0x0], $0xffff  }
0xb6: {  	v47 =	vor.u32 s30, v3;
	v39 =	vld.idx.msk [tilespmem:v62+s21+$0x0], $0xffff  }
0xb7: {  	v46 =	vor.u32 s30, v4;
	v41 =	vld.idx.msk [tilespmem:v63+s21+$0x0], $0xffff  }
0xb8: {  	v45 =	vor.u32 s30, v6;
	v38 =	vld.idx.msk [tilespmem:v1+s21+$0x0], $0xffff;
	v42 =	vperm.xlane v36, v18;
	v43 =	vperm.xlane v36, v29  }
0xb9: {  	s31 =	simm.s32 $0x1;
	s8 =	simm.s32 $0x2;
	v44 =	vor.u32 s30, v8;
	v40 =	vld.idx.msk [tilespmem:v0+s21+$0x0], $0xffff;
	v35 =	vperm.xlane v36, v31;
	v34 =	vperm.xlane v36, v33  }
.LBB2_9:
0xba: {  	p2 =	sne.s32 s8, $0x7F;
	v0 =	vld.idx.msk [tilespmem:v48+s21+$0x0], $0xffff;
	v1 =	vor.u32 s30, v19;
	v48 =	vperm.xlane v36, v14;
	v49 =	vperm.xlane v36, v15  }
0xbb: {  	v50 =	vor.u32 s30, v21;
	v51 =	vperm.xlane v36, v16;
	v52 =	vperm.xlane v36, v17;
	v47 =	vld.idx.msk [tilespmem:v47+s21+$0x0], $0xffff  }
0xbc: {  	v53 =	vperm.xlane v36, v11;
	v54 =	vperm.xlane v36, v13;
	v55 =	vor.u32 s30, v25;
	v46 =	vld.idx.msk [tilespmem:v46+s21+$0x0], $0xffff  }
0xbd: {  	v56 =	vperm.xlane v36, v20;
	v57 =	vperm.xlane v36, v22;
	v58 =	vor.u32 s30, v26;
	v45 =	vld.idx.msk [tilespmem:v45+s21+$0x0], $0xffff  }
0xbe: {  	v59 =	vperm.xlane v36, v2;
	v60 =	vperm.xlane v36, v5;
	v61 =	vor.u32 s30, v30;
	v44 =	vld.idx.msk [tilespmem:v44+s21+$0x0], $0xffff  }
0xbf: {  	v62 =	vperm.xlane v36, v7;
	v36 =	vperm.xlane v36, v9;
	v63 =	vor.u32 s30, v32;
	v1 =	vld.idx.msk [tilespmem:v1+s21+$0x0], $0xffff  }
0xc0: {  	v37 =	vmul.f32 v42, v37;
	v38 =	vmul.f32 v43, v38;
	v50 =	vld.idx.msk [tilespmem:v50+s21+$0x0], $0xffff  }
0xc1: {  	v39 =	vmul.f32 v48, v39;
	v40 =	vmul.f32 v49, v40;
	v42 =	vld.idx.msk [tilespmem:v55+s21+$0x0], $0xffff  }
0xc2: {  	v41 =	vmul.f32 v53, v41;
	v0 =	vmul.f32 v54, v0;
	v43 =	vld.idx.msk [tilespmem:v58+s21+$0x0], $0xffff  }
0xc3: {  	v47 =	vmul.f32 v59, v47;
	v46 =	vmul.f32 v60, v46;
	v48 =	vld.idx.msk [tilespmem:v61+s21+$0x0], $0xffff  }
0xc4: {  	v49 =	vmov s31;
	s31 =	smov.u32 s8;
	v45 =	vmul.f32 v62, v45;
	v36 =	vmul.f32 v36, v44;
	v44 =	vld.idx.msk [tilespmem:v63+s21+$0x0], $0xffff  }
0xc5: {  	v47 =	vadd.f32 $0.0e+00, v47;
	v46 =	vadd.f32 $0.0e+00, v46;
	v1 =	vmul.f32 v56, v1  }
0xc6: {  	v45 =	vadd.f32 $0.0e+00, v45;
	v36 =	vadd.f32 $0.0e+00, v36;
	v50 =	vmul.f32 v57, v50  }
0xc7: {  	v41 =	vadd.f32 v41, v47;
	v0 =	vadd.f32 v0, v46;
	v42 =	vmul.f32 v51, v42  }
0xc8: {  	v1 =	vadd.f32 v1, v45;
	v36 =	vadd.f32 v50, v36;
	v43 =	vmul.f32 v52, v43  }
0xc9: {  	v39 =	vadd.f32 v39, v41;
	v0 =	vadd.f32 v40, v0;
	v35 =	vmul.f32 v35, v48  }
0xca: {  	v1 =	vadd.f32 v42, v1;
	v36 =	vadd.f32 v43, v36;
	v34 =	vmul.f32 v34, v44  }
0xcb: {  	v37 =	vadd.f32 v37, v39;
	v0 =	vadd.f32 v38, v0  }
0xcc: {  	s28 =	sadd.s32 $0x10, s28;
	v1 =	vadd.f32 v35, v1;
	v34 =	vadd.f32 v34, v36  }
0xcd: {  	v35 =	vld [tilespmem:s28+$0x0]  }
0xce: {  	v0 =	vadd.f32 v0, v37;
	v1 =	vadd.f32 v34, v1;
	v34 =	vld.idx.msk [tilespmem:v49+s22+$0x0], $0xffff;
	_ =	sdelay $0x1  }
0xcf: {  	v0 =	vadd.f32 v1, v0;
	_ =	sdelay $0x1  }
0xd0: {  	v0 =	vsub.f32 v0, v35  }
0xd1: {  	s30 =	sadd.s32 $0x100, s30  }
0xd2: {  	v1 =	vor.u32 s30, v27;
	v0 =	vmul.f32 v0, v34  }
0xd3: {  	s29 =	sadd.s32 $0x20, s29;
	v34 =	vor.u32 s30, v28  }
0xd4: {  	s1 =	sadd.s32 $0x10, s1;
	v35 =	vor.u32 s30, v23;
	[tilespmem:s29+$0x0] =	vst v0  }
0xd5: {  	v0 =	vor.u32 s30, v24;
	v36 =	vld [tilespmem:s1+$0x0]  }
0xd6: {  	v41 =	vor.u32 s30, v10  }
.Ltmp4:
0xd7: {  	v48 =	vor.u32 s30, v12;
	v37 =	vld.idx.msk [tilespmem:v1+s21+$0x0], $0xffff;
	(pc) =	sbr.rel @p2 .LBB2_9-.Ltmp4, $4  }
0xd8: {  	v47 =	vor.u32 s30, v3;
	v38 =	vld.idx.msk [tilespmem:v34+s21+$0x0], $0xffff  }
0xd9: {  	v46 =	vor.u32 s30, v4;
	v39 =	vld.idx.msk [tilespmem:v35+s21+$0x0], $0xffff  }
0xda: {  	v45 =	vor.u32 s30, v6;
	v40 =	vld.idx.msk [tilespmem:v0+s21+$0x0], $0xffff;
	v42 =	vperm.xlane v36, v18;
	v43 =	vperm.xlane v36, v29  }
0xdb: {  	s8 =	sadd.s32 $0x1, s8;
	v44 =	vor.u32 s30, v8;
	v35 =	vperm.xlane v36, v31;
	v34 =	vperm.xlane v36, v33;
	v41 =	vld.idx.msk [tilespmem:v41+s21+$0x0], $0xffff  }
0xdc: {  	_ =	sdelay $0x2  }
0xdd: {  	v0 =	vperm.xlane v36, v14;
	v1 =	vperm.xlane v36, v15  }
0xde: {  	v48 =	vld.idx.msk [tilespmem:v48+s21+$0x0], $0xffff;
	v49 =	vor.u32 s30, v19;
	v50 =	vperm.xlane v36, v16;
	v51 =	vperm.xlane v36, v17  }
0xdf: {  	v47 =	vld.idx.msk [tilespmem:v47+s21+$0x0], $0xffff;
	v52 =	vor.u32 s30, v21;
	v53 =	vperm.xlane v36, v11;
	v54 =	vperm.xlane v36, v13  }
0xe0: {  	v46 =	vld.idx.msk [tilespmem:v46+s21+$0x0], $0xffff;
	v55 =	vor.u32 s30, v25;
	v56 =	vperm.xlane v36, v20;
	v57 =	vperm.xlane v36, v22  }
0xe1: {  	v45 =	vld.idx.msk [tilespmem:v45+s21+$0x0], $0xffff;
	v58 =	vor.u32 s30, v26;
	v59 =	vperm.xlane v36, v2;
	v60 =	vperm.xlane v36, v5  }
0xe2: {  	v44 =	vld.idx.msk [tilespmem:v44+s21+$0x0], $0xffff;
	v61 =	vor.u32 s30, v30;
	v62 =	vperm.xlane v36, v7;
	v36 =	vperm.xlane v36, v9  }
0xe3: {  	v63 =	vor.u32 s30, v32;
	v37 =	vmul.f32 v42, v37;
	v38 =	vmul.f32 v43, v38;
	v49 =	vld.idx.msk [tilespmem:v49+s21+$0x0], $0xffff  }
0xe4: {  	v0 =	vmul.f32 v0, v39;
	v1 =	vmul.f32 v1, v40;
	v42 =	vld.idx.msk [tilespmem:v52+s21+$0x0], $0xffff  }
0xe5: {  	v40 =	vmul.f32 v53, v41;
	v39 =	vld.idx.msk [tilespmem:v55+s21+$0x0], $0xffff;
	v47 =	vmul.f32 v59, v47  }
0xe6: {  	v58 =	vld.idx.msk [tilespmem:v58+s21+$0x0], $0xffff;
	v46 =	vmul.f32 v60, v46;
	v45 =	vmul.f32 v62, v45  }
0xe7: {  	v41 =	vmul.f32 v54, v48;
	v60 =	vld.idx.msk [tilespmem:v61+s21+$0x0], $0xffff;
	v36 =	vmul.f32 v36, v44;
	v47 =	vadd.f32 $0.0e+00, v47  }
0xe8: {  	v61 =	vmov s31;
	v53 =	vld.idx.msk [tilespmem:v63+s21+$0x0], $0xffff;
	v46 =	vadd.f32 $0.0e+00, v46;
	v45 =	vadd.f32 $0.0e+00, v45  }
0xe9: {  	v36 =	vadd.f32 $0.0e+00, v36;
	v49 =	vmul.f32 v56, v49;
	v42 =	vmul.f32 v57, v42  }
0xea: {  	v40 =	vadd.f32 v40, v47;
	v41 =	vadd.f32 v41, v46;
	v39 =	vmul.f32 v50, v39  }
0xeb: {  	v54 =	vmul.f32 v51, v58;
	v45 =	vadd.f32 v49, v45;
	v36 =	vadd.f32 v42, v36  }
0xec: {  	v35 =	vmul.f32 v35, v60;
	v0 =	vadd.f32 v0, v40;
	v1 =	vadd.f32 v1, v41  }
0xed: {  	v34 =	vmul.f32 v34, v53;
	v39 =	vadd.f32 v39, v45;
	v36 =	vadd.f32 v54, v36  }
0xee: {  	v0 =	vadd.f32 v37, v0;
	v1 =	vadd.f32 v38, v1  }
0xef: {  	s1 =	sadd.s32 $0x10, s28;
	v35 =	vadd.f32 v35, v39;
	v34 =	vadd.f32 v34, v36  }
0xf0: {  	v55 =	vld [tilespmem:s1+$0x0]  }
0xf1: {  	v0 =	vadd.f32 v1, v0;
	v1 =	vadd.f32 v34, v35  }
0xf2: {  	v56 =	vld.idx.msk [tilespmem:v61+s22+$0x0], $0xffff  }
0xf3: {  	v0 =	vadd.f32 v1, v0;
	_ =	sdelay $0x1  }
0xf4: {  	v0 =	vsub.f32 v0, v55;
	_ =	sdelay $0x1  }
0xf5: {  	v0 =	vmul.f32 v0, v56  }
0xf6: {  	s31 =	sadd.s32 $0x20, s29  }
0xf7: {  	s28 =	simm.s32 $0x9180;
	[tilespmem:s31+$0x0] =	vst v0  }
0xf8: {  	[spmem:s2] =	stream.indirect.scatter.add.f32 [tilespmem:s28], [sflag:$0x2], $0x20, s19, s19, $0xb8;
	[tilespmem:$0xEFA0] =	vst v63  }
0xf9: {  	s8 =	sshll.u32 s26, $0x5;
	_ =	swait.ge [sflag:s18], $0x1000  }
0xfa: {  	s1 =	sand.u32 $0x1FFFF000, s8;
	[sflag:s18] =	ssyncset.done $0x0  }
0xfb: {  	s26 =	simm.s32 $0x0;
	s8 =	sadd.s32 s6, s1;
	[sflag:s18] =	ssyncadd.s32 $0xFFFFF000  }
0xfc: {  	[tilespmem:s21], [sflag:$0x2] =	stream.linear.gather [hbm4b:s8+s26], $0x8000, $0x38;
	[tilespmem:$0xEFA0] =	vst v63  }
0xfd: {  	_ =	swait.ge [sflag:s18], $0x8000  }
0xfe: {  	[sflag:s18] =	ssyncset.done $0x0  }
0xff: {  	s30 =	sadd.s32 s7, s25;
	[sflag:s18] =	ssyncadd.s32 $0xFFFF8000  }
0x100: {  	[tilespmem:s22], [sflag:$0x2] =	stream.linear.gather [hbm4b:s30+s26], $0x80, $0x38;
	[tilespmem:$0xEFA0] =	vst v63  }
0x101: {  	_ =	swait.ge [sflag:s18], $0x80  }
0x102: {  	v0 =	vor.u32 s26, v27;
	[sflag:s18] =	ssyncset.done $0x0  }
0x103: {  	v1 =	vor.u32 s26, v28;
	s31 =	simm.s32 $0x900;
	[sflag:s18] =	ssyncadd.s32 $0xFFFFFF80  }
0x104: {  	v57 =	vor.u32 s26, v23;
	v35 =	vld [tilespmem:s31+$0x0]  }
0x105: {  	v58 =	vor.u32 s26, v24  }
0x106: {  	v59 =	vor.u32 s26, v10  }
0x107: {  	v60 =	vor.u32 s26, v12;
	v0 =	vld.idx.msk [tilespmem:v0+s21+$0x0], $0xffff  }
0x108: {  	v61 =	vor.u32 s26, v3;
	v1 =	vld.idx.msk [tilespmem:v1+s21+$0x0], $0xffff  }
0x109: {  	v62 =	vor.u32 s26, v4;
	v34 =	vld.idx.msk [tilespmem:v57+s21+$0x0], $0xffff;
	v41 =	vperm.xlane v35, v18;
	v42 =	vperm.xlane v35, v29  }
0x10a: {  	v63 =	vor.u32 s26, v6;
	v36 =	vld.idx.msk [tilespmem:v58+s21+$0x0], $0xffff;
	v44 =	vperm.xlane v35, v31;
	v45 =	vperm.xlane v35, v33  }
0x10b: {  	v46 =	vor.u32 s26, v8;
	v37 =	vld.idx.msk [tilespmem:v59+s21+$0x0], $0xffff;
	v47 =	vperm.xlane v35, v14;
	v48 =	vperm.xlane v35, v15  }
0x10c: {  	v49 =	vor.u32 s26, v19;
	v38 =	vld.idx.msk [tilespmem:v60+s21+$0x0], $0xffff;
	v50 =	vperm.xlane v35, v16;
	v51 =	vperm.xlane v35, v17  }
0x10d: {  	v52 =	vor.u32 s26, v21;
	v39 =	vld.idx.msk [tilespmem:v61+s21+$0x0], $0xffff;
	v53 =	vperm.xlane v35, v11;
	v54 =	vperm.xlane v35, v13  }
0x10e: {  	v40 =	vld.idx.msk [tilespmem:v62+s21+$0x0], $0xffff;
	v58 =	vor.u32 s26, v26;
	v56 =	vperm.xlane v35, v20;
	v57 =	vperm.xlane v35, v22  }
0x10f: {  	v55 =	vor.u32 s26, v25;
	v43 =	vld.idx.msk [tilespmem:v63+s21+$0x0], $0xffff;
	v59 =	vperm.xlane v35, v2;
	v60 =	vperm.xlane v35, v5  }
0x110: {  	v46 =	vld.idx.msk [tilespmem:v46+s21+$0x0], $0xffff;
	v61 =	vor.u32 s26, v30;
	v62 =	vperm.xlane v35, v7;
	v35 =	vperm.xlane v35, v9  }
0x111: {  	v49 =	vld.idx.msk [tilespmem:v49+s21+$0x0], $0xffff;
	v63 =	vor.u32 s26, v32;
	v0 =	vmul.f32 v41, v0;
	v1 =	vmul.f32 v42, v1  }
0x112: {  	v41 =	vld.idx.msk [tilespmem:v52+s21+$0x0], $0xffff;
	v34 =	vmul.f32 v47, v34;
	v36 =	vmul.f32 v48, v36  }
0x113: {  	v58 =	vld.idx.msk [tilespmem:v58+s21+$0x0], $0xffff;
	v37 =	vmul.f32 v53, v37;
	v38 =	vmul.f32 v54, v38  }
0x114: {  	v42 =	vld.idx.msk [tilespmem:v55+s21+$0x0], $0xffff;
	v39 =	vmul.f32 v59, v39;
	v40 =	vmul.f32 v60, v40  }
0x115: {  	v60 =	vld.idx.msk [tilespmem:v61+s21+$0x0], $0xffff;
	v61 =	vmov s26;
	v43 =	vmul.f32 v62, v43;
	v35 =	vmul.f32 v35, v46  }
0x116: {  	v63 =	vld.idx.msk [tilespmem:v63+s21+$0x0], $0xffff;
	v49 =	vmul.f32 v56, v49;
	v39 =	vadd.f32 $0.0e+00, v39;
	v40 =	vadd.f32 $0.0e+00, v40  }
0x117: {  	v43 =	vadd.f32 $0.0e+00, v43;
	v35 =	vadd.f32 $0.0e+00, v35;
	v41 =	vmul.f32 v57, v41  }
0x118: {  	v54 =	vmul.f32 v51, v58;
	v37 =	vadd.f32 v37, v39;
	v38 =	vadd.f32 v38, v40  }
0x119: {  	v53 =	vadd.f32 v49, v43;
	v50 =	vmul.f32 v50, v42;
	v35 =	vadd.f32 v41, v35  }
0x11a: {  	v55 =	vmul.f32 v44, v60;
	v34 =	vadd.f32 v34, v37;
	v36 =	vadd.f32 v36, v38  }
0x11b: {  	v57 =	vmul.f32 v45, v63;
	v56 =	vadd.f32 v50, v53;
	v35 =	vadd.f32 v54, v35  }
0x11c: {  	v0 =	vadd.f32 v0, v34;
	v1 =	vadd.f32 v1, v36  }
0x11d: {  	s25 =	simm.s32 $0x100;
	v58 =	vadd.f32 v55, v56;
	v35 =	vadd.f32 v57, v35  }
0x11e: {  	v59 =	vld [tilespmem:s25+$0x0]  }
0x11f: {  	v0 =	vadd.f32 v1, v0;
	v1 =	vadd.f32 v35, v58  }
0x120: {  	v60 =	vld.idx.msk [tilespmem:v61+s22+$0x0], $0xffff  }
0x121: {  	v0 =	vadd.f32 v1, v0;
	_ =	sdelay $0x1  }
0x122: {  	v0 =	vsub.f32 v0, v59  }
0x123: {  	s26 =	simm.s32 $0x100  }
0x124: {  	v1 =	vor.u32 s26, v27;
	v0 =	vmul.f32 v0, v60  }
0x125: {  	v61 =	vor.u32 s26, v28  }
0x126: {  	s1 =	simm.s32 $0x910;
	v62 =	vor.u32 s26, v23;
	[tilespmem:s28+$0x0] =	vst v0  }
0x127: {  	v63 =	vor.u32 s26, v10;
	v36 =	vld [tilespmem:s1+$0x0]  }
0x128: {  	v0 =	vor.u32 s26, v24  }
0x129: {  	v48 =	vor.u32 s26, v12;
	v37 =	vld.idx.msk [tilespmem:v1+s21+$0x0], $0xffff  }
0x12a: {  	v47 =	vor.u32 s26, v3;
	v38 =	vld.idx.msk [tilespmem:v61+s21+$0x0], $0xffff  }
0x12b: {  	v46 =	vor.u32 s26, v4;
	v39 =	vld.idx.msk [tilespmem:v62+s21+$0x0], $0xffff  }
0x12c: {  	v45 =	vor.u32 s26, v6;
	v41 =	vld.idx.msk [tilespmem:v63+s21+$0x0], $0xffff;
	v42 =	vperm.xlane v36, v18;
	v43 =	vperm.xlane v36, v29  }
0x12d: {  	s29 =	simm.s32 $0x1;
	s8 =	simm.s32 $0x2;
	v44 =	vor.u32 s26, v8;
	v40 =	vld.idx.msk [tilespmem:v0+s21+$0x0], $0xffff;
	v35 =	vperm.xlane v36, v31;
	v34 =	vperm.xlane v36, v33  }
.LBB2_11:
0x12e: {  	p2 =	sne.s32 s8, $0x7F;
	v0 =	vld.idx.msk [tilespmem:v48+s21+$0x0], $0xffff;
	v1 =	vor.u32 s26, v19;
	v48 =	vperm.xlane v36, v14;
	v49 =	vperm.xlane v36, v15  }
0x12f: {  	v50 =	vor.u32 s26, v21;
	v51 =	vperm.xlane v36, v16;
	v52 =	vperm.xlane v36, v17;
	v47 =	vld.idx.msk [tilespmem:v47+s21+$0x0], $0xffff  }
0x130: {  	v53 =	vperm.xlane v36, v11;
	v54 =	vperm.xlane v36, v13;
	v55 =	vor.u32 s26, v25;
	v46 =	vld.idx.msk [tilespmem:v46+s21+$0x0], $0xffff  }
0x131: {  	v56 =	vperm.xlane v36, v20;
	v57 =	vperm.xlane v36, v22;
	v58 =	vor.u32 s26, v26;
	v45 =	vld.idx.msk [tilespmem:v45+s21+$0x0], $0xffff  }
0x132: {  	v59 =	vperm.xlane v36, v2;
	v60 =	vperm.xlane v36, v5;
	v61 =	vor.u32 s26, v30;
	v44 =	vld.idx.msk [tilespmem:v44+s21+$0x0], $0xffff  }
0x133: {  	v62 =	vperm.xlane v36, v7;
	v36 =	vperm.xlane v36, v9;
	v63 =	vor.u32 s26, v32;
	v1 =	vld.idx.msk [tilespmem:v1+s21+$0x0], $0xffff  }
0x134: {  	v37 =	vmul.f32 v42, v37;
	v38 =	vmul.f32 v43, v38;
	v50 =	vld.idx.msk [tilespmem:v50+s21+$0x0], $0xffff  }
0x135: {  	v39 =	vmul.f32 v48, v39;
	v40 =	vmul.f32 v49, v40;
	v42 =	vld.idx.msk [tilespmem:v55+s21+$0x0], $0xffff  }
0x136: {  	v41 =	vmul.f32 v53, v41;
	v0 =	vmul.f32 v54, v0;
	v43 =	vld.idx.msk [tilespmem:v58+s21+$0x0], $0xffff  }
0x137: {  	v47 =	vmul.f32 v59, v47;
	v46 =	vmul.f32 v60, v46;
	v48 =	vld.idx.msk [tilespmem:v61+s21+$0x0], $0xffff  }
0x138: {  	v49 =	vmov s29;
	s29 =	smov.u32 s8;
	v45 =	vmul.f32 v62, v45;
	v36 =	vmul.f32 v36, v44;
	v44 =	vld.idx.msk [tilespmem:v63+s21+$0x0], $0xffff  }
0x139: {  	v47 =	vadd.f32 $0.0e+00, v47;
	v46 =	vadd.f32 $0.0e+00, v46;
	v1 =	vmul.f32 v56, v1  }
0x13a: {  	v45 =	vadd.f32 $0.0e+00, v45;
	v36 =	vadd.f32 $0.0e+00, v36;
	v50 =	vmul.f32 v57, v50  }
0x13b: {  	v41 =	vadd.f32 v41, v47;
	v0 =	vadd.f32 v0, v46;
	v42 =	vmul.f32 v51, v42  }
0x13c: {  	v1 =	vadd.f32 v1, v45;
	v36 =	vadd.f32 v50, v36;
	v43 =	vmul.f32 v52, v43  }
0x13d: {  	v39 =	vadd.f32 v39, v41;
	v0 =	vadd.f32 v40, v0;
	v35 =	vmul.f32 v35, v48  }
0x13e: {  	v1 =	vadd.f32 v42, v1;
	v36 =	vadd.f32 v43, v36;
	v34 =	vmul.f32 v34, v44  }
0x13f: {  	v37 =	vadd.f32 v37, v39;
	v0 =	vadd.f32 v38, v0  }
0x140: {  	s25 =	sadd.s32 $0x10, s25;
	v1 =	vadd.f32 v35, v1;
	v34 =	vadd.f32 v34, v36  }
0x141: {  	v35 =	vld [tilespmem:s25+$0x0]  }
0x142: {  	v0 =	vadd.f32 v0, v37;
	v1 =	vadd.f32 v34, v1;
	v34 =	vld.idx.msk [tilespmem:v49+s22+$0x0], $0xffff;
	_ =	sdelay $0x1  }
0x143: {  	v0 =	vadd.f32 v1, v0;
	_ =	sdelay $0x1  }
0x144: {  	v0 =	vsub.f32 v0, v35  }
0x145: {  	s26 =	sadd.s32 $0x100, s26  }
0x146: {  	v1 =	vor.u32 s26, v27;
	v0 =	vmul.f32 v0, v34  }
0x147: {  	s28 =	sadd.s32 $0x20, s28;
	v34 =	vor.u32 s26, v28  }
0x148: {  	s1 =	sadd.s32 $0x10, s1;
	v35 =	vor.u32 s26, v23;
	[tilespmem:s28+$0x0] =	vst v0  }
0x149: {  	v0 =	vor.u32 s26, v24;
	v36 =	vld [tilespmem:s1+$0x0]  }
0x14a: {  	v41 =	vor.u32 s26, v10  }
.Ltmp5:
0x14b: {  	v48 =	vor.u32 s26, v12;
	v37 =	vld.idx.msk [tilespmem:v1+s21+$0x0], $0xffff;
	(pc) =	sbr.rel @p2 .LBB2_11-.Ltmp5, $4  }
0x14c: {  	v47 =	vor.u32 s26, v3;
	v38 =	vld.idx.msk [tilespmem:v34+s21+$0x0], $0xffff  }
0x14d: {  	v46 =	vor.u32 s26, v4;
	v39 =	vld.idx.msk [tilespmem:v35+s21+$0x0], $0xffff  }
0x14e: {  	v45 =	vor.u32 s26, v6;
	v40 =	vld.idx.msk [tilespmem:v0+s21+$0x0], $0xffff;
	v42 =	vperm.xlane v36, v18;
	v43 =	vperm.xlane v36, v29  }
0x14f: {  	s8 =	sadd.s32 $0x1, s8;
	v44 =	vor.u32 s26, v8;
	v35 =	vperm.xlane v36, v31;
	v34 =	vperm.xlane v36, v33;
	v41 =	vld.idx.msk [tilespmem:v41+s21+$0x0], $0xffff  }
0x150: {  	_ =	sdelay $0x2  }
0x151: {  	v0 =	vperm.xlane v36, v14;
	v1 =	vperm.xlane v36, v15  }
0x152: {  	v48 =	vld.idx.msk [tilespmem:v48+s21+$0x0], $0xffff;
	v49 =	vor.u32 s26, v19;
	v50 =	vperm.xlane v36, v16;
	v51 =	vperm.xlane v36, v17  }
0x153: {  	v47 =	vld.idx.msk [tilespmem:v47+s21+$0x0], $0xffff;
	v52 =	vor.u32 s26, v21;
	v53 =	vperm.xlane v36, v11;
	v54 =	vperm.xlane v36, v13  }
0x154: {  	v46 =	vld.idx.msk [tilespmem:v46+s21+$0x0], $0xffff;
	v55 =	vor.u32 s26, v25;
	v56 =	vperm.xlane v36, v20;
	v57 =	vperm.xlane v36, v22  }
0x155: {  	v45 =	vld.idx.msk [tilespmem:v45+s21+$0x0], $0xffff;
	v58 =	vor.u32 s26, v26;
	v59 =	vperm.xlane v36, v2;
	v60 =	vperm.xlane v36, v5  }
0x156: {  	v44 =	vld.idx.msk [tilespmem:v44+s21+$0x0], $0xffff;
	v61 =	vor.u32 s26, v30;
	v62 =	vperm.xlane v36, v7;
	v36 =	vperm.xlane v36, v9  }
0x157: {  	v63 =	vor.u32 s26, v32;
	v37 =	vmul.f32 v42, v37;
	v38 =	vmul.f32 v43, v38;
	v49 =	vld.idx.msk [tilespmem:v49+s21+$0x0], $0xffff  }
0x158: {  	v0 =	vmul.f32 v0, v39;
	v1 =	vmul.f32 v1, v40;
	v42 =	vld.idx.msk [tilespmem:v52+s21+$0x0], $0xffff  }
0x159: {  	v40 =	vmul.f32 v53, v41;
	v39 =	vld.idx.msk [tilespmem:v55+s21+$0x0], $0xffff;
	v47 =	vmul.f32 v59, v47  }
0x15a: {  	v43 =	vld.idx.msk [tilespmem:v58+s21+$0x0], $0xffff;
	v46 =	vmul.f32 v60, v46;
	v45 =	vmul.f32 v62, v45  }
0x15b: {  	v41 =	vmul.f32 v54, v48;
	v58 =	vld.idx.msk [tilespmem:v61+s21+$0x0], $0xffff;
	v36 =	vmul.f32 v36, v44;
	v47 =	vadd.f32 $0.0e+00, v47  }
0x15c: {  	v59 =	vmov s29;
	v60 =	vld.idx.msk [tilespmem:v63+s21+$0x0], $0xffff;
	v46 =	vadd.f32 $0.0e+00, v46;
	v45 =	vadd.f32 $0.0e+00, v45  }
0x15d: {  	v36 =	vadd.f32 $0.0e+00, v36;
	v49 =	vmul.f32 v56, v49;
	v42 =	vmul.f32 v57, v42  }
0x15e: {  	v40 =	vadd.f32 v40, v47;
	v41 =	vadd.f32 v41, v46;
	v39 =	vmul.f32 v50, v39  }
0x15f: {  	v61 =	vmul.f32 v51, v43;
	v45 =	vadd.f32 v49, v45;
	v36 =	vadd.f32 v42, v36  }
0x160: {  	v35 =	vmul.f32 v35, v58;
	v0 =	vadd.f32 v0, v40;
	v1 =	vadd.f32 v1, v41  }
0x161: {  	v34 =	vmul.f32 v34, v60;
	v39 =	vadd.f32 v39, v45;
	v36 =	vadd.f32 v61, v36  }
0x162: {  	v0 =	vadd.f32 v37, v0;
	v1 =	vadd.f32 v38, v1  }
0x163: {  	s1 =	sadd.s32 $0x10, s25;
	v35 =	vadd.f32 v35, v39;
	v34 =	vadd.f32 v34, v36  }
0x164: {  	v62 =	vld [tilespmem:s1+$0x0]  }
0x165: {  	v0 =	vadd.f32 v1, v0;
	v1 =	vadd.f32 v34, v35  }
0x166: {  	v63 =	vld.idx.msk [tilespmem:v59+s22+$0x0], $0xffff  }
0x167: {  	v0 =	vadd.f32 v1, v0;
	_ =	sdelay $0x1  }
0x168: {  	v0 =	vsub.f32 v0, v62;
	_ =	sdelay $0x1  }
0x169: {  	s24 =	sadd.s32 $0x1, s24;
	v0 =	vmul.f32 v0, v63  }
0x16a: {  	s31 =	sadd.s32 $0x20, s28;
	p2 =	sne.s32 s24, s13  }
.Ltmp6:
0x16b: {  	[tilespmem:s31+$0x0] =	vst v0;
	(pc) =	sbr.rel @p2 .LBB2_8-.Ltmp6, $4  }
0x16c: {  	[spmem:s2] =	stream.indirect.scatter.add.f32 [tilespmem:s17], [sflag:$0x2], $0x20, s3, s19, $0xb8;
	[tilespmem:$0xEFA0] =	vst v63  }
0x16d: {  	_ =	swait.ge [sflag:s18], $0x1000  }
0x16e: {  	[sflag:s18] =	ssyncset.done $0x0  }
0x16f: {  	[sflag:s18] =	ssyncadd.s32 $0xFFFFF000  }
.Ltmp7:
0x170: {  	s1 =	stileid.u32;
	(pc) =	sbr.rel @!p1 .LBB2_15-.Ltmp7, $4  }
0x171: {  	[bflag:$0x0] =	sbarrier.arrive $0xFFFF;
	s1 =	sshll.u32 s1, $0x6  }
0x172: {  	s8 =	sshrl.u32 s11, $0x3;
	s24 =	sadd.s32 $0x2000, s16;
	s1 =	sor.u32 $0x1C02, s1  }
0x173: {  	[hbm:s16], [sflag:s1] =	dma.local [spmem:s8], $0x200  }
0x174: {  	s25 =	smov.u32 s11;
	s8 =	sadd.s32 $0xFFFFFFFF, s10;
	_ =	swait.ge [sflag:s18], $0x200  }
.LBB2_14:
0x175: {  	[sflag:s18] =	ssyncset.done $0x0;
	s25 =	sadd.s32 $0x10000, s25;
	p1 =	sne.s32 s8, $0x1  }
.Ltmp8:
0x176: {  	s26 =	sshrl.u32 s25, $0x3;
	[sflag:s18] =	ssyncadd.s32 $0xFFFFFE00;
	(pc) =	sbr.rel @p1 .LBB2_14-.Ltmp8, $3  }
0x177: {  	[hbm:s24], [sflag:s1] =	dma.local [spmem:s26], $0x200  }
0x178: {  	s8 =	sadd.s32 $0xFFFFFFFF, s8;
	_ =	sdelay $0x1  }
0x179: {  	s24 =	sadd.s32 $0x2000, s24;
	_ =	swait.ge [sflag:s18], $0x200  }
.LBB2_15:
0x17a: {  	[sflag:s18] =	ssyncset.done $0x0  }
0x17b: {  	s1 =	sshrl.u32 @!p0 s12, $0x3;
	s8 =	simm.s32 @!p0 $0x1FC2;
	[sflag:s18] =	ssyncadd.s32 $0xFFFFFE00  }
0x17c: {  	[hbm:s14], [sflag:s8] =	dma.local @!p0 [spmem:s1], $0x40  }
0x17d: {  	s23 =	sadd.s32 $0x1, s23;
	s1 =	simm.s32 @!p0 $0x2  }
0x17e: {  	p1 =	sne.s32 s23, s15;
	_ =	swait.ge @!p0 [sflag:s1], $0x40  }
.Ltmp9:
0x17f: {  	v1 =	vld [tilespmem:$0x1FFF0];
	(pc) =	sbr.rel @p1 .LBB2_1-.Ltmp9, $3  }
0x180: {  	_ =	sdelay $0x1  }
0x181: {  	[sflag:s1] =	ssyncset.done @!p0 $0x0  }
0x182: {  	v0 =	vimm.f32 $0.0e+00;
	[sflag:s1] =	ssyncadd.s32 @!p0 $0xFFFFFFC0  }
0x183: {  	_ =	sfence.sel $0x180000  }
0x184: {  	[bflag:$0x0] =	sbarrier.arrive $0xFFFF  }
0x185: {  	_ =	strace $0x90000047  }
0x186: {  	s0 =	stileid.u32;
	[bflag:$0x2] =	sbarrier.arrive $0xFFFF  }
0x187: {  	p0 =	sne.s32 s0, $0x0;
	s0 =	rddreg [dreg:$0x3]  }
0x188: {  	s0 =	sadd.s32 @!p0 $0x100000, s0  }
0x189: {  	[sflag:s0] =	ssyncadd.tile.s32 @!p0 $0x1;
	_ =	shalt  }
.Lfunc_end2:
_tile_overlayer_lowered:
.L_overlay_start_2:
0x18a: {  	(tag) =	ssettag $0x2  }
0x18b: {  	s0 =	rddreg [dreg:$0x0];
	s2 =	stileid.u32  }
0x18c: {  	s1 =	rddreg [dreg:$0x1];
	p0 =	sne.s32 s2, $0x0  }
0x18d: {  	s3 =	rddreg [dreg:$0x2];
	[bflag:$0x3] =	sbarrier.arrive $0xFFFF;
	s2 =	simm.s32 @!p0 $0x1C02  }
0x18e: {  	[timem:s3], [sflag:s2] =	dma.local @!p0 [hbm:s0], s1  }
0x18f: {  	s0 =	simm.s32 @!p0 $0x2  }
0x190: {  	_ =	swait.ge @!p0 [sflag:s0], s1  }
0x191: {  	s1 =	ssub.s32 @!p0 $0x0, s1;
	[sflag:s0] =	ssyncset.done @!p0 $0x0  }
0x192: {  	[sflag:s0] =	ssyncadd.s32 @!p0 s1  }
0x193: {  	[bflag:$0x3] =	sbarrier.arrive $0xFFFF  }
0x194: {  	_ =	shalt  }

</sc_bundles>
